<compile_context>
chip_gen: v7x
topology: tpu7x:2x2x1
jax: 0.10.2.dev20260603
libtpu: 0.0.44.dev20260713+nightly
codegen_flags: <defaults>
</compile_context>

<pallas_src>
import functools

import jax
import jax.numpy as jnp
from jax import lax
from jax.experimental import pallas as pl
from jax.experimental.pallas import tpu as pltpu
from jax.experimental.pallas import tpu_sc as plsc

MAX_LEN = 512
D = 128

_info = plsc.get_sparse_core_info()
NC = _info.num_cores
NS = _info.num_subcores
NW = NC * NS

CHUNK = 64
NBUF = 8
DX = 4


@jax.jit
def _gather_flat(idx_flat, table):
    B = idx_flat.shape[0]
    b_per_w = B // NW
    n_chunks = b_per_w // CHUNK
    n_groups = n_chunks // NBUF
    mesh = plsc.VectorSubcoreMesh(core_axis_name="c", subcore_axis_name="s")

    @functools.partial(
        pl.kernel,
        mesh=mesh,
        out_type=jax.ShapeDtypeStruct((B, D), jnp.float32),
        scratch_types=[
            pltpu.VMEM((b_per_w,), jnp.int32),
            pltpu.VMEM_SHARED((MAX_LEN, D), jnp.float32),
            *[pltpu.VMEM((CHUNK, D), jnp.float32) for _ in range(NBUF)],
            *[pltpu.SemaphoreType.DMA for _ in range(2 * NBUF)],
        ],
    )
    def k(idx_hbm, table_hbm, out_hbm, idx_v, tab_sh, *rest):
        bufs = rest[:NBUF]
        gsem = rest[NBUF : 2 * NBUF]
        ssem = rest[2 * NBUF :]
        sid = lax.axis_index("s")
        wid = sid * NC + lax.axis_index("c")
        base = wid * b_per_w

        rows_per_sid = MAX_LEN // NS
        pltpu.sync_copy(
            table_hbm.at[pl.ds(sid * rows_per_sid, rows_per_sid)],
            tab_sh.at[pl.ds(sid * rows_per_sid, rows_per_sid)],
        )
        pltpu.sync_copy(idx_hbm.at[pl.ds(base, b_per_w)], idx_v)
        plsc.subcore_barrier()

        def start_gather(c, j):
            pltpu.async_copy(
                tab_sh.at[idx_v.at[pl.ds(c * CHUNK, CHUNK)]], bufs[j], gsem[j]
            )

        def wait_gather(j):
            pltpu.make_async_copy(
                tab_sh.at[idx_v.at[pl.ds(0, CHUNK)]], bufs[j], gsem[j]
            ).wait()

        def start_store(c, j):
            pltpu.async_copy(
                bufs[j], out_hbm.at[pl.ds(base + c * CHUNK, CHUNK)], ssem[j]
            )

        def wait_store(j):
            pltpu.make_async_copy(
                bufs[j], out_hbm.at[pl.ds(base, CHUNK)], ssem[j]
            ).wait()

        for c in range(DX):
            start_gather(c, c % NBUF)

        def body(g, carry):
            for j in range(NBUF):
                i = NBUF * g + j
                wait_gather(j)
                start_store(i, j)
                jn = (j + DX) % NBUF
                if j + DX < NBUF:
                    @pl.when(g > 0)
                    def _():
                        wait_store(jn)

                    start_gather(i + DX, jn)
                else:
                    @pl.when(g < n_groups - 1)
                    def _():
                        wait_store(jn)
                        start_gather(i + DX, jn)

            return carry

        lax.fori_loop(0, n_groups, body, 0)

        for j in range(NBUF):
            wait_store(j)

    return k(idx_flat, table)


def kernel(span_indices, table):
    bsz, seq = span_indices.shape
    idx_flat = span_indices.reshape(-1)
    out = _gather_flat(idx_flat, table)
    return out.reshape(bsz, seq, D)

# --- scband reference (transcript-rebuilt; emitter-appended) ---
"""Pipeline reference for scband-span-positional-encoding-20633022890426 (READ-ONLY COPY).

The authoritative reference and input builder live on the scoring server;
editing this copy changes nothing except your own understanding.
"""

import jax, jax.numpy as jnp
import numpy as np

MAX_LENGTH = 512
MODEL_DIM = 128
PADDING_IDX = 0  # the original code references an undefined global `span_indices_padding_index`; assume 0


def setup_inputs(seed: int = 0) -> dict:
    key = jax.random.key(seed)
    k_idx, k_tab = jax.random.split(key)
    span_indices = jax.random.randint(k_idx, (4096, 200), 0, MAX_LENGTH, dtype=jnp.int32)
    table = jax.random.normal(k_tab, (MAX_LENGTH, MODEL_DIM), dtype=jnp.float32)
    # nn.Embedding with padding_idx zero-initializes (and keeps zero grad for) that row
    table = table.at[PADDING_IDX].set(0.0)
    return {"span_indices": span_indices, "table": table}


def reference(span_indices, table):
    # span_indices: (batch, seq_len) int; table: (max_length, model_dim)
    # -> (batch, seq_len, model_dim)
    return jnp.take(table, span_indices, axis=0)

if __name__ == "__main__":
    import jax
    _d = setup_inputs()
    print(jax.jit(kernel)(*tuple(_d.values())))

</pallas_src>

<mosaic_0001>
#map = affine_map<(d0, d1) -> (0)>
#map1 = affine_map<(d0, d1) -> (0, 0)>
module attributes {stable_mosaic.version = 14 : i64} {
  func.func @k(%arg0: i32, %arg1: i32, %arg2: memref<819200xi32, #tpu.memory_space<hbm>>, %arg3: memref<512x128xf32, #tpu.memory_space<hbm>>, %arg4: memref<819200x128xf32, #tpu.memory_space<hbm>>, %arg5: memref<25600xi32, #tpu.memory_space<vmem>>, %arg6: memref<512x128xf32, #tpu.memory_space<vmem_shared>>, %arg7: memref<64x128xf32, #tpu.memory_space<vmem>>, %arg8: memref<64x128xf32, #tpu.memory_space<vmem>>, %arg9: memref<64x128xf32, #tpu.memory_space<vmem>>, %arg10: memref<64x128xf32, #tpu.memory_space<vmem>>, %arg11: memref<64x128xf32, #tpu.memory_space<vmem>>, %arg12: memref<64x128xf32, #tpu.memory_space<vmem>>, %arg13: memref<64x128xf32, #tpu.memory_space<vmem>>, %arg14: memref<64x128xf32, #tpu.memory_space<vmem>>, %arg15: memref<!tpu.dma_semaphore, #tpu.memory_space<semaphore_mem>>, %arg16: memref<!tpu.dma_semaphore, #tpu.memory_space<semaphore_mem>>, %arg17: memref<!tpu.dma_semaphore, #tpu.memory_space<semaphore_mem>>, %arg18: memref<!tpu.dma_semaphore, #tpu.memory_space<semaphore_mem>>, %arg19: memref<!tpu.dma_semaphore, #tpu.memory_space<semaphore_mem>>, %arg20: memref<!tpu.dma_semaphore, #tpu.memory_space<semaphore_mem>>, %arg21: memref<!tpu.dma_semaphore, #tpu.memory_space<semaphore_mem>>, %arg22: memref<!tpu.dma_semaphore, #tpu.memory_space<semaphore_mem>>, %arg23: memref<!tpu.dma_semaphore, #tpu.memory_space<semaphore_mem>>, %arg24: memref<!tpu.dma_semaphore, #tpu.memory_space<semaphore_mem>>, %arg25: memref<!tpu.dma_semaphore, #tpu.memory_space<semaphore_mem>>, %arg26: memref<!tpu.dma_semaphore, #tpu.memory_space<semaphore_mem>>, %arg27: memref<!tpu.dma_semaphore, #tpu.memory_space<semaphore_mem>>, %arg28: memref<!tpu.dma_semaphore, #tpu.memory_space<semaphore_mem>>, %arg29: memref<!tpu.dma_semaphore, #tpu.memory_space<semaphore_mem>>, %arg30: memref<!tpu.dma_semaphore, #tpu.memory_space<semaphore_mem>>) attributes {dimension_semantics = [#tpu.dimension_semantics<core_parallel>, #tpu.dimension_semantics<subcore_parallel>], iteration_bounds = array<i64: 2, 16>, scalar_prefetch = 0 : i64, scratch_operands = 26 : i64, tpu.core_type = #tpu.core_type<sc_vector_subcore>, window_params = [{transform_indices = #map}, {transform_indices = #map1}, {transform_indices = #map1}]} {
    %mul3A = arith.constant 2 : i32
    %mul3A_0 = arith.muli %arg1, %mul3A : i32
    %add3A = arith.addi %mul3A_0, %arg0 : i32
    %mul3A_1 = arith.constant 25600 : i32
    %mul3A_2 = arith.muli %add3A, %mul3A_1 : i32
    %mul3A_3 = arith.constant 32 : i32
    %mul3A_4 = arith.muli %arg1, %mul3A_3 : i32
    %mul3A_5 = arith.constant 32 : i32
    %mul3A_6 = arith.muli %arg1, %mul3A_5 : i32
    "tpu.region"() ({
      %run_scoped3A = tpu.sem_alloc : memref<!tpu.dma_semaphore, #tpu.memory_space<semaphore_mem>>
      %dma_start3A_62 = arith.constant 0 : i32
      %dma_start3A_63 = tpu.memref_slice %arg6[%mul3A_6, %dma_start3A_62] : memref<512x128xf32, #tpu.memory_space<vmem_shared>> -> memref<32x128xf32, #tpu.memory_space<vmem_shared>>
      %dma_start3A_64 = arith.constant 0 : i32
      %dma_start3A_65 = tpu.memref_slice %arg3[%mul3A_4, %dma_start3A_64] : memref<512x128xf32, #tpu.memory_space<hbm>> -> memref<32x128xf32, #tpu.memory_space<hbm>>
      tpu.enqueue_dma source(%dma_start3A_65 : memref<32x128xf32, #tpu.memory_space<hbm>>) target(%dma_start3A_63 : memref<32x128xf32, #tpu.memory_space<vmem_shared>>) target_semaphore(%run_scoped3A : memref<!tpu.dma_semaphore, #tpu.memory_space<semaphore_mem>>)
      %dma_wait3A_66 = arith.constant 0 : i32
      %dma_wait3A_67 = tpu.memref_slice %arg6[%mul3A_6, %dma_wait3A_66] : memref<512x128xf32, #tpu.memory_space<vmem_shared>> -> memref<32x128xf32, #tpu.memory_space<vmem_shared>>
      %dma_wait3A_68 = arith.constant 0 : i32
      %dma_wait3A_69 = tpu.memref_slice %arg3[%mul3A_4, %dma_wait3A_68] : memref<512x128xf32, #tpu.memory_space<hbm>> -> memref<32x128xf32, #tpu.memory_space<hbm>>
      tpu.wait_dma2 semaphore(%run_scoped3A : memref<!tpu.dma_semaphore, #tpu.memory_space<semaphore_mem>>) src(%dma_wait3A_69 : memref<32x128xf32, #tpu.memory_space<hbm>>) dst(%dma_wait3A_67 : memref<32x128xf32, #tpu.memory_space<vmem_shared>>)
      tpu.yield
    }) : () -> ()
    "tpu.region"() ({
      %run_scoped3A = tpu.sem_alloc : memref<!tpu.dma_semaphore, #tpu.memory_space<semaphore_mem>>
      %dma_start3A_62 = tpu.memref_slice %arg2[%mul3A_2] : memref<819200xi32, #tpu.memory_space<hbm>> -> memref<25600xi32, #tpu.memory_space<hbm>>
      %dma_start3A_63 = tpu.memref_slice %arg2[%mul3A_2] : memref<819200xi32, #tpu.memory_space<hbm>> -> memref<25600xi32, #tpu.memory_space<hbm>>
      tpu.enqueue_dma source(%dma_start3A_63 : memref<25600xi32, #tpu.memory_space<hbm>>) target(%arg5 : memref<25600xi32, #tpu.memory_space<vmem>>) target_semaphore(%run_scoped3A : memref<!tpu.dma_semaphore, #tpu.memory_space<semaphore_mem>>)
      %dma_wait3A_64 = tpu.memref_slice %arg2[%mul3A_2] : memref<819200xi32, #tpu.memory_space<hbm>> -> memref<25600xi32, #tpu.memory_space<hbm>>
      %dma_wait3A_65 = tpu.memref_slice %arg2[%mul3A_2] : memref<819200xi32, #tpu.memory_space<hbm>> -> memref<25600xi32, #tpu.memory_space<hbm>>
      tpu.wait_dma2 semaphore(%run_scoped3A : memref<!tpu.dma_semaphore, #tpu.memory_space<semaphore_mem>>) src(%dma_wait3A_65 : memref<25600xi32, #tpu.memory_space<hbm>>) dst(%arg5 : memref<25600xi32, #tpu.memory_space<vmem>>)
      tpu.yield
    }) : () -> ()
    %barrier3A = arith.constant 0 : index
    tpu.barrier barrier_id(%barrier3A)
    %dma_start3A = arith.constant 0 : i32
    %dma_start3A_7 = tpu.memref_slice %arg5[%dma_start3A] : memref<25600xi32, #tpu.memory_space<vmem>> -> memref<64xi32, #tpu.memory_space<vmem>>
    %dma_start3A_8 = arith.constant 0 : i32
    %dma_start3A_9 = arith.constant 0 : i32
    %dma_start3A_10 = tpu.memref_slice %arg6[%dma_start3A_8, %dma_start3A_9] : memref<512x128xf32, #tpu.memory_space<vmem_shared>> -> memref<512x128xf32, #tpu.memory_space<vmem_shared>>
    tpu.enqueue_indirect_dma source(%dma_start3A_10 : memref<512x128xf32, #tpu.memory_space<vmem_shared>>) target(%arg7 : memref<64x128xf32, #tpu.memory_space<vmem>>) offsets(%dma_start3A_7 : memref<64xi32, #tpu.memory_space<vmem>>) semaphore(%arg15 : memref<!tpu.dma_semaphore, #tpu.memory_space<semaphore_mem>>)
    %dma_start3A_11 = arith.constant 64 : i32
    %dma_start3A_12 = tpu.memref_slice %arg5[%dma_start3A_11] : memref<25600xi32, #tpu.memory_space<vmem>> -> memref<64xi32, #tpu.memory_space<vmem>>
    %dma_start3A_13 = arith.constant 0 : i32
    %dma_start3A_14 = arith.constant 0 : i32
    %dma_start3A_15 = tpu.memref_slice %arg6[%dma_start3A_13, %dma_start3A_14] : memref<512x128xf32, #tpu.memory_space<vmem_shared>> -> memref<512x128xf32, #tpu.memory_space<vmem_shared>>
    tpu.enqueue_indirect_dma source(%dma_start3A_15 : memref<512x128xf32, #tpu.memory_space<vmem_shared>>) target(%arg8 : memref<64x128xf32, #tpu.memory_space<vmem>>) offsets(%dma_start3A_12 : memref<64xi32, #tpu.memory_space<vmem>>) semaphore(%arg16 : memref<!tpu.dma_semaphore, #tpu.memory_space<semaphore_mem>>)
    %dma_start3A_16 = arith.constant 128 : i32
    %dma_start3A_17 = tpu.memref_slice %arg5[%dma_start3A_16] : memref<25600xi32, #tpu.memory_space<vmem>> -> memref<64xi32, #tpu.memory_space<vmem>>
    %dma_start3A_18 = arith.constant 0 : i32
    %dma_start3A_19 = arith.constant 0 : i32
    %dma_start3A_20 = tpu.memref_slice %arg6[%dma_start3A_18, %dma_start3A_19] : memref<512x128xf32, #tpu.memory_space<vmem_shared>> -> memref<512x128xf32, #tpu.memory_space<vmem_shared>>
    tpu.enqueue_indirect_dma source(%dma_start3A_20 : memref<512x128xf32, #tpu.memory_space<vmem_shared>>) target(%arg9 : memref<64x128xf32, #tpu.memory_space<vmem>>) offsets(%dma_start3A_17 : memref<64xi32, #tpu.memory_space<vmem>>) semaphore(%arg17 : memref<!tpu.dma_semaphore, #tpu.memory_space<semaphore_mem>>)
    %dma_start3A_21 = arith.constant 192 : i32
    %dma_start3A_22 = tpu.memref_slice %arg5[%dma_start3A_21] : memref<25600xi32, #tpu.memory_space<vmem>> -> memref<64xi32, #tpu.memory_space<vmem>>
    %dma_start3A_23 = arith.constant 0 : i32
    %dma_start3A_24 = arith.constant 0 : i32
    %dma_start3A_25 = tpu.memref_slice %arg6[%dma_start3A_23, %dma_start3A_24] : memref<512x128xf32, #tpu.memory_space<vmem_shared>> -> memref<512x128xf32, #tpu.memory_space<vmem_shared>>
    tpu.enqueue_indirect_dma source(%dma_start3A_25 : memref<512x128xf32, #tpu.memory_space<vmem_shared>>) target(%arg10 : memref<64x128xf32, #tpu.memory_space<vmem>>) offsets(%dma_start3A_22 : memref<64xi32, #tpu.memory_space<vmem>>) semaphore(%arg18 : memref<!tpu.dma_semaphore, #tpu.memory_space<semaphore_mem>>)
    %scan3A = arith.constant 0 : i32
    %scan3A_26 = arith.constant 0 : i32
    %scan3A_27 = arith.constant 50 : i32
    %scan3A_28 = arith.addi %scan3A_26, %scan3A_27 : i32
    %scan3A_29 = arith.constant 1 : i32
    scf.for %scan3A_62 = %scan3A_26 to %scan3A_28 step %scan3A_29  : i32 {
      %mul3A_63 = arith.constant 8 : i32
      %mul3A_64 = arith.muli %mul3A_63, %scan3A_62 : i32
      %add3A_65 = arith.constant 0 : i32
      %add3A_66 = arith.addi %mul3A_64, %add3A_65 : i32
      %dma_wait3A_67 = arith.constant 0 : i32
      %dma_wait3A_68 = tpu.memref_slice %arg5[%dma_wait3A_67] : memref<25600xi32, #tpu.memory_space<vmem>> -> memref<64xi32, #tpu.memory_space<vmem>>
      %dma_wait3A_69 = arith.constant 0 : i32
      %dma_wait3A_70 = arith.constant 0 : i32
      %dma_wait3A_71 = tpu.memref_slice %arg6[%dma_wait3A_69, %dma_wait3A_70] : memref<512x128xf32, #tpu.memory_space<vmem_shared>> -> memref<512x128xf32, #tpu.memory_space<vmem_shared>>
      tpu.wait_indirect_dma semaphore(%arg15 : memref<!tpu.dma_semaphore, #tpu.memory_space<semaphore_mem>>) src(%dma_wait3A_71 : memref<512x128xf32, #tpu.memory_space<vmem_shared>>) dst(%arg7 : memref<64x128xf32, #tpu.memory_space<vmem>>)
      %mul3A_72 = arith.constant 64 : i32
      %mul3A_73 = arith.muli %add3A_66, %mul3A_72 : i32
      %add3A_74 = arith.addi %mul3A_2, %mul3A_73 : i32
      %dma_start3A_75 = arith.constant 0 : i32
      %dma_start3A_76 = tpu.memref_slice %arg4[%add3A_74, %dma_start3A_75] : memref<819200x128xf32, #tpu.memory_space<hbm>> -> memref<64x128xf32, #tpu.memory_space<hbm>>
      %dma_start3A_77 = arith.constant 0 : i32
      %dma_start3A_78 = tpu.memref_slice %arg4[%add3A_74, %dma_start3A_77] : memref<819200x128xf32, #tpu.memory_space<hbm>> -> memref<64x128xf32, #tpu.memory_space<hbm>>
      tpu.enqueue_dma source(%arg7 : memref<64x128xf32, #tpu.memory_space<vmem>>) target(%dma_start3A_78 : memref<64x128xf32, #tpu.memory_space<hbm>>) target_semaphore(%arg23 : memref<!tpu.dma_semaphore, #tpu.memory_space<semaphore_mem>>)
      %gt3A = arith.constant 0 : i32
      %gt3A_79 = arith.cmpi sgt, %scan3A_62, %gt3A : i32
      %convert_element_type3A = arith.extui %gt3A_79 : i1 to i32
      %cond3A = arith.constant 0 : i32
      %cond3A_80 = arith.cmpi ne, %convert_element_type3A, %cond3A : i32
      scf.if %cond3A_80 {
        %dma_wait3A_259 = arith.constant 0 : i32
        %dma_wait3A_260 = tpu.memref_slice %arg4[%mul3A_2, %dma_wait3A_259] : memref<819200x128xf32, #tpu.memory_space<hbm>> -> memref<64x128xf32, #tpu.memory_space<hbm>>
        %dma_wait3A_261 = arith.constant 0 : i32
        %dma_wait3A_262 = tpu.memref_slice %arg4[%mul3A_2, %dma_wait3A_261] : memref<819200x128xf32, #tpu.memory_space<hbm>> -> memref<64x128xf32, #tpu.memory_space<hbm>>
        tpu.wait_dma2 semaphore(%arg27 : memref<!tpu.dma_semaphore, #tpu.memory_space<semaphore_mem>>) src(%arg11 : memref<64x128xf32, #tpu.memory_space<vmem>>) dst(%dma_wait3A_262 : memref<64x128xf32, #tpu.memory_space<hbm>>)
      } else {
      }
      %add3A_81 = arith.constant 4 : i32
      %add3A_82 = arith.addi %add3A_66, %add3A_81 : i32
      %mul3A_83 = arith.constant 64 : i32
      %mul3A_84 = arith.muli %add3A_82, %mul3A_83 : i32
      %dma_start3A_85 = tpu.memref_slice %arg5[%mul3A_84] : memref<25600xi32, #tpu.memory_space<vmem>> -> memref<64xi32, #tpu.memory_space<vmem>>
      %dma_start3A_86 = arith.constant 0 : i32
      %dma_start3A_87 = arith.constant 0 : i32
      %dma_start3A_88 = tpu.memref_slice %arg6[%dma_start3A_86, %dma_start3A_87] : memref<512x128xf32, #tpu.memory_space<vmem_shared>> -> memref<512x128xf32, #tpu.memory_space<vmem_shared>>
      tpu.enqueue_indirect_dma source(%dma_start3A_88 : memref<512x128xf32, #tpu.memory_space<vmem_shared>>) target(%arg11 : memref<64x128xf32, #tpu.memory_space<vmem>>) offsets(%dma_start3A_85 : memref<64xi32, #tpu.memory_space<vmem>>) semaphore(%arg19 : memref<!tpu.dma_semaphore, #tpu.memory_space<semaphore_mem>>)
      %mul3A_89 = arith.constant 8 : i32
      %mul3A_90 = arith.muli %mul3A_89, %scan3A_62 : i32
      %add3A_91 = arith.constant 1 : i32
      %add3A_92 = arith.addi %mul3A_90, %add3A_91 : i32
      %dma_wait3A_93 = arith.constant 0 : i32
      %dma_wait3A_94 = tpu.memref_slice %arg5[%dma_wait3A_93] : memref<25600xi32, #tpu.memory_space<vmem>> -> memref<64xi32, #tpu.memory_space<vmem>>
      %dma_wait3A_95 = arith.constant 0 : i32
      %dma_wait3A_96 = arith.constant 0 : i32
      %dma_wait3A_97 = tpu.memref_slice %arg6[%dma_wait3A_95, %dma_wait3A_96] : memref<512x128xf32, #tpu.memory_space<vmem_shared>> -> memref<512x128xf32, #tpu.memory_space<vmem_shared>>
      tpu.wait_indirect_dma semaphore(%arg16 : memref<!tpu.dma_semaphore, #tpu.memory_space<semaphore_mem>>) src(%dma_wait3A_97 : memref<512x128xf32, #tpu.memory_space<vmem_shared>>) dst(%arg8 : memref<64x128xf32, #tpu.memory_space<vmem>>)
      %mul3A_98 = arith.constant 64 : i32
      %mul3A_99 = arith.muli %add3A_92, %mul3A_98 : i32
      %add3A_100 = arith.addi %mul3A_2, %mul3A_99 : i32
      %dma_start3A_101 = arith.constant 0 : i32
      %dma_start3A_102 = tpu.memref_slice %arg4[%add3A_100, %dma_start3A_101] : memref<819200x128xf32, #tpu.memory_space<hbm>> -> memref<64x128xf32, #tpu.memory_space<hbm>>
      %dma_start3A_103 = arith.constant 0 : i32
      %dma_start3A_104 = tpu.memref_slice %arg4[%add3A_100, %dma_start3A_103] : memref<819200x128xf32, #tpu.memory_space<hbm>> -> memref<64x128xf32, #tpu.memory_space<hbm>>
      tpu.enqueue_dma source(%arg8 : memref<64x128xf32, #tpu.memory_space<vmem>>) target(%dma_start3A_104 : memref<64x128xf32, #tpu.memory_space<hbm>>) target_semaphore(%arg24 : memref<!tpu.dma_semaphore, #tpu.memory_space<semaphore_mem>>)
      %gt3A_105 = arith.constant 0 : i32
      %gt3A_106 = arith.cmpi sgt, %scan3A_62, %gt3A_105 : i32
      %convert_element_type3A_107 = arith.extui %gt3A_106 : i1 to i32
      %cond3A_108 = arith.constant 0 : i32
      %cond3A_109 = arith.cmpi ne, %convert_element_type3A_107, %cond3A_108 : i32
      scf.if %cond3A_109 {
        %dma_wait3A_259 = arith.constant 0 : i32
        %dma_wait3A_260 = tpu.memref_slice %arg4[%mul3A_2, %dma_wait3A_259] : memref<819200x128xf32, #tpu.memory_space<hbm>> -> memref<64x128xf32, #tpu.memory_space<hbm>>
        %dma_wait3A_261 = arith.constant 0 : i32
        %dma_wait3A_262 = tpu.memref_slice %arg4[%mul3A_2, %dma_wait3A_261] : memref<819200x128xf32, #tpu.memory_space<hbm>> -> memref<64x128xf32, #tpu.memory_space<hbm>>
        tpu.wait_dma2 semaphore(%arg28 : memref<!tpu.dma_semaphore, #tpu.memory_space<semaphore_mem>>) src(%arg12 : memref<64x128xf32, #tpu.memory_space<vmem>>) dst(%dma_wait3A_262 : memref<64x128xf32, #tpu.memory_space<hbm>>)
      } else {
      }
      %add3A_110 = arith.constant 4 : i32
      %add3A_111 = arith.addi %add3A_92, %add3A_110 : i32
      %mul3A_112 = arith.constant 64 : i32
      %mul3A_113 = arith.muli %add3A_111, %mul3A_112 : i32
      %dma_start3A_114 = tpu.memref_slice %arg5[%mul3A_113] : memref<25600xi32, #tpu.memory_space<vmem>> -> memref<64xi32, #tpu.memory_space<vmem>>
      %dma_start3A_115 = arith.constant 0 : i32
      %dma_start3A_116 = arith.constant 0 : i32
      %dma_start3A_117 = tpu.memref_slice %arg6[%dma_start3A_115, %dma_start3A_116] : memref<512x128xf32, #tpu.memory_space<vmem_shared>> -> memref<512x128xf32, #tpu.memory_space<vmem_shared>>
      tpu.enqueue_indirect_dma source(%dma_start3A_117 : memref<512x128xf32, #tpu.memory_space<vmem_shared>>) target(%arg12 : memref<64x128xf32, #tpu.memory_space<vmem>>) offsets(%dma_start3A_114 : memref<64xi32, #tpu.memory_space<vmem>>) semaphore(%arg20 : memref<!tpu.dma_semaphore, #tpu.memory_space<semaphore_mem>>)
      %mul3A_118 = arith.constant 8 : i32
      %mul3A_119 = arith.muli %mul3A_118, %scan3A_62 : i32
      %add3A_120 = arith.constant 2 : i32
      %add3A_121 = arith.addi %mul3A_119, %add3A_120 : i32
      %dma_wait3A_122 = arith.constant 0 : i32
      %dma_wait3A_123 = tpu.memref_slice %arg5[%dma_wait3A_122] : memref<25600xi32, #tpu.memory_space<vmem>> -> memref<64xi32, #tpu.memory_space<vmem>>
      %dma_wait3A_124 = arith.constant 0 : i32
      %dma_wait3A_125 = arith.constant 0 : i32
      %dma_wait3A_126 = tpu.memref_slice %arg6[%dma_wait3A_124, %dma_wait3A_125] : memref<512x128xf32, #tpu.memory_space<vmem_shared>> -> memref<512x128xf32, #tpu.memory_space<vmem_shared>>
      tpu.wait_indirect_dma semaphore(%arg17 : memref<!tpu.dma_semaphore, #tpu.memory_space<semaphore_mem>>) src(%dma_wait3A_126 : memref<512x128xf32, #tpu.memory_space<vmem_shared>>) dst(%arg9 : memref<64x128xf32, #tpu.memory_space<vmem>>)
      %mul3A_127 = arith.constant 64 : i32
      %mul3A_128 = arith.muli %add3A_121, %mul3A_127 : i32
      %add3A_129 = arith.addi %mul3A_2, %mul3A_128 : i32
      %dma_start3A_130 = arith.constant 0 : i32
      %dma_start3A_131 = tpu.memref_slice %arg4[%add3A_129, %dma_start3A_130] : memref<819200x128xf32, #tpu.memory_space<hbm>> -> memref<64x128xf32, #tpu.memory_space<hbm>>
      %dma_start3A_132 = arith.constant 0 : i32
      %dma_start3A_133 = tpu.memref_slice %arg4[%add3A_129, %dma_start3A_132] : memref<819200x128xf32, #tpu.memory_space<hbm>> -> memref<64x128xf32, #tpu.memory_space<hbm>>
      tpu.enqueue_dma source(%arg9 : memref<64x128xf32, #tpu.memory_space<vmem>>) target(%dma_start3A_133 : memref<64x128xf32, #tpu.memory_space<hbm>>) target_semaphore(%arg25 : memref<!tpu.dma_semaphore, #tpu.memory_space<semaphore_mem>>)
      %gt3A_134 = arith.constant 0 : i32
      %gt3A_135 = arith.cmpi sgt, %scan3A_62, %gt3A_134 : i32
      %convert_element_type3A_136 = arith.extui %gt3A_135 : i1 to i32
      %cond3A_137 = arith.constant 0 : i32
      %cond3A_138 = arith.cmpi ne, %convert_element_type3A_136, %cond3A_137 : i32
      scf.if %cond3A_138 {
        %dma_wait3A_259 = arith.constant 0 : i32
        %dma_wait3A_260 = tpu.memref_slice %arg4[%mul3A_2, %dma_wait3A_259] : memref<819200x128xf32, #tpu.memory_space<hbm>> -> memref<64x128xf32, #tpu.memory_space<hbm>>
        %dma_wait3A_261 = arith.constant 0 : i32
        %dma_wait3A_262 = tpu.memref_slice %arg4[%mul3A_2, %dma_wait3A_261] : memref<819200x128xf32, #tpu.memory_space<hbm>> -> memref<64x128xf32, #tpu.memory_space<hbm>>
        tpu.wait_dma2 semaphore(%arg29 : memref<!tpu.dma_semaphore, #tpu.memory_space<semaphore_mem>>) src(%arg13 : memref<64x128xf32, #tpu.memory_space<vmem>>) dst(%dma_wait3A_262 : memref<64x128xf32, #tpu.memory_space<hbm>>)
      } else {
      }
      %add3A_139 = arith.constant 4 : i32
      %add3A_140 = arith.addi %add3A_121, %add3A_139 : i32
      %mul3A_141 = arith.constant 64 : i32
      %mul3A_142 = arith.muli %add3A_140, %mul3A_141 : i32
      %dma_start3A_143 = tpu.memref_slice %arg5[%mul3A_142] : memref<25600xi32, #tpu.memory_space<vmem>> -> memref<64xi32, #tpu.memory_space<vmem>>
      %dma_start3A_144 = arith.constant 0 : i32
      %dma_start3A_145 = arith.constant 0 : i32
      %dma_start3A_146 = tpu.memref_slice %arg6[%dma_start3A_144, %dma_start3A_145] : memref<512x128xf32, #tpu.memory_space<vmem_shared>> -> memref<512x128xf32, #tpu.memory_space<vmem_shared>>
      tpu.enqueue_indirect_dma source(%dma_start3A_146 : memref<512x128xf32, #tpu.memory_space<vmem_shared>>) target(%arg13 : memref<64x128xf32, #tpu.memory_space<vmem>>) offsets(%dma_start3A_143 : memref<64xi32, #tpu.memory_space<vmem>>) semaphore(%arg21 : memref<!tpu.dma_semaphore, #tpu.memory_space<semaphore_mem>>)
      %mul3A_147 = arith.constant 8 : i32
      %mul3A_148 = arith.muli %mul3A_147, %scan3A_62 : i32
      %add3A_149 = arith.constant 3 : i32
      %add3A_150 = arith.addi %mul3A_148, %add3A_149 : i32
      %dma_wait3A_151 = arith.constant 0 : i32
      %dma_wait3A_152 = tpu.memref_slice %arg5[%dma_wait3A_151] : memref<25600xi32, #tpu.memory_space<vmem>> -> memref<64xi32, #tpu.memory_space<vmem>>
      %dma_wait3A_153 = arith.constant 0 : i32
      %dma_wait3A_154 = arith.constant 0 : i32
      %dma_wait3A_155 = tpu.memref_slice %arg6[%dma_wait3A_153, %dma_wait3A_154] : memref<512x128xf32, #tpu.memory_space<vmem_shared>> -> memref<512x128xf32, #tpu.memory_space<vmem_shared>>
      tpu.wait_indirect_dma semaphore(%arg18 : memref<!tpu.dma_semaphore, #tpu.memory_space<semaphore_mem>>) src(%dma_wait3A_155 : memref<512x128xf32, #tpu.memory_space<vmem_shared>>) dst(%arg10 : memref<64x128xf32, #tpu.memory_space<vmem>>)
      %mul3A_156 = arith.constant 64 : i32
      %mul3A_157 = arith.muli %add3A_150, %mul3A_156 : i32
      %add3A_158 = arith.addi %mul3A_2, %mul3A_157 : i32
      %dma_start3A_159 = arith.constant 0 : i32
      %dma_start3A_160 = tpu.memref_slice %arg4[%add3A_158, %dma_start3A_159] : memref<819200x128xf32, #tpu.memory_space<hbm>> -> memref<64x128xf32, #tpu.memory_space<hbm>>
      %dma_start3A_161 = arith.constant 0 : i32
      %dma_start3A_162 = tpu.memref_slice %arg4[%add3A_158, %dma_start3A_161] : memref<819200x128xf32, #tpu.memory_space<hbm>> -> memref<64x128xf32, #tpu.memory_space<hbm>>
      tpu.enqueue_dma source(%arg10 : memref<64x128xf32, #tpu.memory_space<vmem>>) target(%dma_start3A_162 : memref<64x128xf32, #tpu.memory_space<hbm>>) target_semaphore(%arg26 : memref<!tpu.dma_semaphore, #tpu.memory_space<semaphore_mem>>)
      %gt3A_163 = arith.constant 0 : i32
      %gt3A_164 = arith.cmpi sgt, %scan3A_62, %gt3A_163 : i32
      %convert_element_type3A_165 = arith.extui %gt3A_164 : i1 to i32
      %cond3A_166 = arith.constant 0 : i32
      %cond3A_167 = arith.cmpi ne, %convert_element_type3A_165, %cond3A_166 : i32
      scf.if %cond3A_167 {
        %dma_wait3A_259 = arith.constant 0 : i32
        %dma_wait3A_260 = tpu.memref_slice %arg4[%mul3A_2, %dma_wait3A_259] : memref<819200x128xf32, #tpu.memory_space<hbm>> -> memref<64x128xf32, #tpu.memory_space<hbm>>
        %dma_wait3A_261 = arith.constant 0 : i32
        %dma_wait3A_262 = tpu.memref_slice %arg4[%mul3A_2, %dma_wait3A_261] : memref<819200x128xf32, #tpu.memory_space<hbm>> -> memref<64x128xf32, #tpu.memory_space<hbm>>
        tpu.wait_dma2 semaphore(%arg30 : memref<!tpu.dma_semaphore, #tpu.memory_space<semaphore_mem>>) src(%arg14 : memref<64x128xf32, #tpu.memory_space<vmem>>) dst(%dma_wait3A_262 : memref<64x128xf32, #tpu.memory_space<hbm>>)
      } else {
      }
      %add3A_168 = arith.constant 4 : i32
      %add3A_169 = arith.addi %add3A_150, %add3A_168 : i32
      %mul3A_170 = arith.constant 64 : i32
      %mul3A_171 = arith.muli %add3A_169, %mul3A_170 : i32
      %dma_start3A_172 = tpu.memref_slice %arg5[%mul3A_171] : memref<25600xi32, #tpu.memory_space<vmem>> -> memref<64xi32, #tpu.memory_space<vmem>>
      %dma_start3A_173 = arith.constant 0 : i32
      %dma_start3A_174 = arith.constant 0 : i32
      %dma_start3A_175 = tpu.memref_slice %arg6[%dma_start3A_173, %dma_start3A_174] : memref<512x128xf32, #tpu.memory_space<vmem_shared>> -> memref<512x128xf32, #tpu.memory_space<vmem_shared>>
      tpu.enqueue_indirect_dma source(%dma_start3A_175 : memref<512x128xf32, #tpu.memory_space<vmem_shared>>) target(%arg14 : memref<64x128xf32, #tpu.memory_space<vmem>>) offsets(%dma_start3A_172 : memref<64xi32, #tpu.memory_space<vmem>>) semaphore(%arg22 : memref<!tpu.dma_semaphore, #tpu.memory_space<semaphore_mem>>)
      %mul3A_176 = arith.constant 8 : i32
      %mul3A_177 = arith.muli %mul3A_176, %scan3A_62 : i32
      %add3A_178 = arith.constant 4 : i32
      %add3A_179 = arith.addi %mul3A_177, %add3A_178 : i32
      %dma_wait3A_180 = arith.constant 0 : i32
      %dma_wait3A_181 = tpu.memref_slice %arg5[%dma_wait3A_180] : memref<25600xi32, #tpu.memory_space<vmem>> -> memref<64xi32, #tpu.memory_space<vmem>>
      %dma_wait3A_182 = arith.constant 0 : i32
      %dma_wait3A_183 = arith.constant 0 : i32
      %dma_wait3A_184 = tpu.memref_slice %arg6[%dma_wait3A_182, %dma_wait3A_183] : memref<512x128xf32, #tpu.memory_space<vmem_shared>> -> memref<512x128xf32, #tpu.memory_space<vmem_shared>>
      tpu.wait_indirect_dma semaphore(%arg19 : memref<!tpu.dma_semaphore, #tpu.memory_space<semaphore_mem>>) src(%dma_wait3A_184 : memref<512x128xf32, #tpu.memory_space<vmem_shared>>) dst(%arg11 : memref<64x128xf32, #tpu.memory_space<vmem>>)
      %mul3A_185 = arith.constant 64 : i32
      %mul3A_186 = arith.muli %add3A_179, %mul3A_185 : i32
      %add3A_187 = arith.addi %mul3A_2, %mul3A_186 : i32
      %dma_start3A_188 = arith.constant 0 : i32
      %dma_start3A_189 = tpu.memref_slice %arg4[%add3A_187, %dma_start3A_188] : memref<819200x128xf32, #tpu.memory_space<hbm>> -> memref<64x128xf32, #tpu.memory_space<hbm>>
      %dma_start3A_190 = arith.constant 0 : i32
      %dma_start3A_191 = tpu.memref_slice %arg4[%add3A_187, %dma_start3A_190] : memref<819200x128xf32, #tpu.memory_space<hbm>> -> memref<64x128xf32, #tpu.memory_space<hbm>>
      tpu.enqueue_dma source(%arg11 : memref<64x128xf32, #tpu.memory_space<vmem>>) target(%dma_start3A_191 : memref<64x128xf32, #tpu.memory_space<hbm>>) target_semaphore(%arg27 : memref<!tpu.dma_semaphore, #tpu.memory_space<semaphore_mem>>)
      %lt3A = arith.constant 49 : i32
      %lt3A_192 = arith.cmpi slt, %scan3A_62, %lt3A : i32
      %convert_element_type3A_193 = arith.extui %lt3A_192 : i1 to i32
      %cond3A_194 = arith.constant 0 : i32
      %cond3A_195 = arith.cmpi ne, %convert_element_type3A_193, %cond3A_194 : i32
      scf.if %cond3A_195 {
        %dma_wait3A_259 = arith.constant 0 : i32
        %dma_wait3A_260 = tpu.memref_slice %arg4[%mul3A_2, %dma_wait3A_259] : memref<819200x128xf32, #tpu.memory_space<hbm>> -> memref<64x128xf32, #tpu.memory_space<hbm>>
        %dma_wait3A_261 = arith.constant 0 : i32
        %dma_wait3A_262 = tpu.memref_slice %arg4[%mul3A_2, %dma_wait3A_261] : memref<819200x128xf32, #tpu.memory_space<hbm>> -> memref<64x128xf32, #tpu.memory_space<hbm>>
        tpu.wait_dma2 semaphore(%arg23 : memref<!tpu.dma_semaphore, #tpu.memory_space<semaphore_mem>>) src(%arg7 : memref<64x128xf32, #tpu.memory_space<vmem>>) dst(%dma_wait3A_262 : memref<64x128xf32, #tpu.memory_space<hbm>>)
        %add3A_263 = arith.constant 4 : i32
        %add3A_264 = arith.addi %add3A_179, %add3A_263 : i32
        %mul3A_265 = arith.constant 64 : i32
        %mul3A_266 = arith.muli %add3A_264, %mul3A_265 : i32
        %dma_start3A_267 = tpu.memref_slice %arg5[%mul3A_266] : memref<25600xi32, #tpu.memory_space<vmem>> -> memref<64xi32, #tpu.memory_space<vmem>>
        %dma_start3A_268 = arith.constant 0 : i32
        %dma_start3A_269 = arith.constant 0 : i32
        %dma_start3A_270 = tpu.memref_slice %arg6[%dma_start3A_268, %dma_start3A_269] : memref<512x128xf32, #tpu.memory_space<vmem_shared>> -> memref<512x128xf32, #tpu.memory_space<vmem_shared>>
        tpu.enqueue_indirect_dma source(%dma_start3A_270 : memref<512x128xf32, #tpu.memory_space<vmem_shared>>) target(%arg7 : memref<64x128xf32, #tpu.memory_space<vmem>>) offsets(%dma_start3A_267 : memref<64xi32, #tpu.memory_space<vmem>>) semaphore(%arg15 : memref<!tpu.dma_semaphore, #tpu.memory_space<semaphore_mem>>)
      } else {
      }
      %mul3A_196 = arith.constant 8 : i32
      %mul3A_197 = arith.muli %mul3A_196, %scan3A_62 : i32
      %add3A_198 = arith.constant 5 : i32
      %add3A_199 = arith.addi %mul3A_197, %add3A_198 : i32
      %dma_wait3A_200 = arith.constant 0 : i32
      %dma_wait3A_201 = tpu.memref_slice %arg5[%dma_wait3A_200] : memref<25600xi32, #tpu.memory_space<vmem>> -> memref<64xi32, #tpu.memory_space<vmem>>
      %dma_wait3A_202 = arith.constant 0 : i32
      %dma_wait3A_203 = arith.constant 0 : i32
      %dma_wait3A_204 = tpu.memref_slice %arg6[%dma_wait3A_202, %dma_wait3A_203] : memref<512x128xf32, #tpu.memory_space<vmem_shared>> -> memref<512x128xf32, #tpu.memory_space<vmem_shared>>
      tpu.wait_indirect_dma semaphore(%arg20 : memref<!tpu.dma_semaphore, #tpu.memory_space<semaphore_mem>>) src(%dma_wait3A_204 : memref<512x128xf32, #tpu.memory_space<vmem_shared>>) dst(%arg12 : memref<64x128xf32, #tpu.memory_space<vmem>>)
      %mul3A_205 = arith.constant 64 : i32
      %mul3A_206 = arith.muli %add3A_199, %mul3A_205 : i32
      %add3A_207 = arith.addi %mul3A_2, %mul3A_206 : i32
      %dma_start3A_208 = arith.constant 0 : i32
      %dma_start3A_209 = tpu.memref_slice %arg4[%add3A_207, %dma_start3A_208] : memref<819200x128xf32, #tpu.memory_space<hbm>> -> memref<64x128xf32, #tpu.memory_space<hbm>>
      %dma_start3A_210 = arith.constant 0 : i32
      %dma_start3A_211 = tpu.memref_slice %arg4[%add3A_207, %dma_start3A_210] : memref<819200x128xf32, #tpu.memory_space<hbm>> -> memref<64x128xf32, #tpu.memory_space<hbm>>
      tpu.enqueue_dma source(%arg12 : memref<64x128xf32, #tpu.memory_space<vmem>>) target(%dma_start3A_211 : memref<64x128xf32, #tpu.memory_space<hbm>>) target_semaphore(%arg28 : memref<!tpu.dma_semaphore, #tpu.memory_space<semaphore_mem>>)
      %lt3A_212 = arith.constant 49 : i32
      %lt3A_213 = arith.cmpi slt, %scan3A_62, %lt3A_212 : i32
      %convert_element_type3A_214 = arith.extui %lt3A_213 : i1 to i32
      %cond3A_215 = arith.constant 0 : i32
      %cond3A_216 = arith.cmpi ne, %convert_element_type3A_214, %cond3A_215 : i32
      scf.if %cond3A_216 {
        %dma_wait3A_259 = arith.constant 0 : i32
        %dma_wait3A_260 = tpu.memref_slice %arg4[%mul3A_2, %dma_wait3A_259] : memref<819200x128xf32, #tpu.memory_space<hbm>> -> memref<64x128xf32, #tpu.memory_space<hbm>>
        %dma_wait3A_261 = arith.constant 0 : i32
        %dma_wait3A_262 = tpu.memref_slice %arg4[%mul3A_2, %dma_wait3A_261] : memref<819200x128xf32, #tpu.memory_space<hbm>> -> memref<64x128xf32, #tpu.memory_space<hbm>>
        tpu.wait_dma2 semaphore(%arg24 : memref<!tpu.dma_semaphore, #tpu.memory_space<semaphore_mem>>) src(%arg8 : memref<64x128xf32, #tpu.memory_space<vmem>>) dst(%dma_wait3A_262 : memref<64x128xf32, #tpu.memory_space<hbm>>)
        %add3A_263 = arith.constant 4 : i32
        %add3A_264 = arith.addi %add3A_199, %add3A_263 : i32
        %mul3A_265 = arith.constant 64 : i32
        %mul3A_266 = arith.muli %add3A_264, %mul3A_265 : i32
        %dma_start3A_267 = tpu.memref_slice %arg5[%mul3A_266] : memref<25600xi32, #tpu.memory_space<vmem>> -> memref<64xi32, #tpu.memory_space<vmem>>
        %dma_start3A_268 = arith.constant 0 : i32
        %dma_start3A_269 = arith.constant 0 : i32
        %dma_start3A_270 = tpu.memref_slice %arg6[%dma_start3A_268, %dma_start3A_269] : memref<512x128xf32, #tpu.memory_space<vmem_shared>> -> memref<512x128xf32, #tpu.memory_space<vmem_shared>>
        tpu.enqueue_indirect_dma source(%dma_start3A_270 : memref<512x128xf32, #tpu.memory_space<vmem_shared>>) target(%arg8 : memref<64x128xf32, #tpu.memory_space<vmem>>) offsets(%dma_start3A_267 : memref<64xi32, #tpu.memory_space<vmem>>) semaphore(%arg16 : memref<!tpu.dma_semaphore, #tpu.memory_space<semaphore_mem>>)
      } else {
      }
      %mul3A_217 = arith.constant 8 : i32
      %mul3A_218 = arith.muli %mul3A_217, %scan3A_62 : i32
      %add3A_219 = arith.constant 6 : i32
      %add3A_220 = arith.addi %mul3A_218, %add3A_219 : i32
      %dma_wait3A_221 = arith.constant 0 : i32
      %dma_wait3A_222 = tpu.memref_slice %arg5[%dma_wait3A_221] : memref<25600xi32, #tpu.memory_space<vmem>> -> memref<64xi32, #tpu.memory_space<vmem>>
      %dma_wait3A_223 = arith.constant 0 : i32
      %dma_wait3A_224 = arith.constant 0 : i32
      %dma_wait3A_225 = tpu.memref_slice %arg6[%dma_wait3A_223, %dma_wait3A_224] : memref<512x128xf32, #tpu.memory_space<vmem_shared>> -> memref<512x128xf32, #tpu.memory_space<vmem_shared>>
      tpu.wait_indirect_dma semaphore(%arg21 : memref<!tpu.dma_semaphore, #tpu.memory_space<semaphore_mem>>) src(%dma_wait3A_225 : memref<512x128xf32, #tpu.memory_space<vmem_shared>>) dst(%arg13 : memref<64x128xf32, #tpu.memory_space<vmem>>)
      %mul3A_226 = arith.constant 64 : i32
      %mul3A_227 = arith.muli %add3A_220, %mul3A_226 : i32
      %add3A_228 = arith.addi %mul3A_2, %mul3A_227 : i32
      %dma_start3A_229 = arith.constant 0 : i32
      %dma_start3A_230 = tpu.memref_slice %arg4[%add3A_228, %dma_start3A_229] : memref<819200x128xf32, #tpu.memory_space<hbm>> -> memref<64x128xf32, #tpu.memory_space<hbm>>
      %dma_start3A_231 = arith.constant 0 : i32
      %dma_start3A_232 = tpu.memref_slice %arg4[%add3A_228, %dma_start3A_231] : memref<819200x128xf32, #tpu.memory_space<hbm>> -> memref<64x128xf32, #tpu.memory_space<hbm>>
      tpu.enqueue_dma source(%arg13 : memref<64x128xf32, #tpu.memory_space<vmem>>) target(%dma_start3A_232 : memref<64x128xf32, #tpu.memory_space<hbm>>) target_semaphore(%arg29 : memref<!tpu.dma_semaphore, #tpu.memory_space<semaphore_mem>>)
      %lt3A_233 = arith.constant 49 : i32
      %lt3A_234 = arith.cmpi slt, %scan3A_62, %lt3A_233 : i32
      %convert_element_type3A_235 = arith.extui %lt3A_234 : i1 to i32
      %cond3A_236 = arith.constant 0 : i32
      %cond3A_237 = arith.cmpi ne, %convert_element_type3A_235, %cond3A_236 : i32
      scf.if %cond3A_237 {
        %dma_wait3A_259 = arith.constant 0 : i32
        %dma_wait3A_260 = tpu.memref_slice %arg4[%mul3A_2, %dma_wait3A_259] : memref<819200x128xf32, #tpu.memory_space<hbm>> -> memref<64x128xf32, #tpu.memory_space<hbm>>
        %dma_wait3A_261 = arith.constant 0 : i32
        %dma_wait3A_262 = tpu.memref_slice %arg4[%mul3A_2, %dma_wait3A_261] : memref<819200x128xf32, #tpu.memory_space<hbm>> -> memref<64x128xf32, #tpu.memory_space<hbm>>
        tpu.wait_dma2 semaphore(%arg25 : memref<!tpu.dma_semaphore, #tpu.memory_space<semaphore_mem>>) src(%arg9 : memref<64x128xf32, #tpu.memory_space<vmem>>) dst(%dma_wait3A_262 : memref<64x128xf32, #tpu.memory_space<hbm>>)
        %add3A_263 = arith.constant 4 : i32
        %add3A_264 = arith.addi %add3A_220, %add3A_263 : i32
        %mul3A_265 = arith.constant 64 : i32
        %mul3A_266 = arith.muli %add3A_264, %mul3A_265 : i32
        %dma_start3A_267 = tpu.memref_slice %arg5[%mul3A_266] : memref<25600xi32, #tpu.memory_space<vmem>> -> memref<64xi32, #tpu.memory_space<vmem>>
        %dma_start3A_268 = arith.constant 0 : i32
        %dma_start3A_269 = arith.constant 0 : i32
        %dma_start3A_270 = tpu.memref_slice %arg6[%dma_start3A_268, %dma_start3A_269] : memref<512x128xf32, #tpu.memory_space<vmem_shared>> -> memref<512x128xf32, #tpu.memory_space<vmem_shared>>
        tpu.enqueue_indirect_dma source(%dma_start3A_270 : memref<512x128xf32, #tpu.memory_space<vmem_shared>>) target(%arg9 : memref<64x128xf32, #tpu.memory_space<vmem>>) offsets(%dma_start3A_267 : memref<64xi32, #tpu.memory_space<vmem>>) semaphore(%arg17 : memref<!tpu.dma_semaphore, #tpu.memory_space<semaphore_mem>>)
      } else {
      }
      %mul3A_238 = arith.constant 8 : i32
      %mul3A_239 = arith.muli %mul3A_238, %scan3A_62 : i32
      %add3A_240 = arith.constant 7 : i32
      %add3A_241 = arith.addi %mul3A_239, %add3A_240 : i32
      %dma_wait3A_242 = arith.constant 0 : i32
      %dma_wait3A_243 = tpu.memref_slice %arg5[%dma_wait3A_242] : memref<25600xi32, #tpu.memory_space<vmem>> -> memref<64xi32, #tpu.memory_space<vmem>>
      %dma_wait3A_244 = arith.constant 0 : i32
      %dma_wait3A_245 = arith.constant 0 : i32
      %dma_wait3A_246 = tpu.memref_slice %arg6[%dma_wait3A_244, %dma_wait3A_245] : memref<512x128xf32, #tpu.memory_space<vmem_shared>> -> memref<512x128xf32, #tpu.memory_space<vmem_shared>>
      tpu.wait_indirect_dma semaphore(%arg22 : memref<!tpu.dma_semaphore, #tpu.memory_space<semaphore_mem>>) src(%dma_wait3A_246 : memref<512x128xf32, #tpu.memory_space<vmem_shared>>) dst(%arg14 : memref<64x128xf32, #tpu.memory_space<vmem>>)
      %mul3A_247 = arith.constant 64 : i32
      %mul3A_248 = arith.muli %add3A_241, %mul3A_247 : i32
      %add3A_249 = arith.addi %mul3A_2, %mul3A_248 : i32
      %dma_start3A_250 = arith.constant 0 : i32
      %dma_start3A_251 = tpu.memref_slice %arg4[%add3A_249, %dma_start3A_250] : memref<819200x128xf32, #tpu.memory_space<hbm>> -> memref<64x128xf32, #tpu.memory_space<hbm>>
      %dma_start3A_252 = arith.constant 0 : i32
      %dma_start3A_253 = tpu.memref_slice %arg4[%add3A_249, %dma_start3A_252] : memref<819200x128xf32, #tpu.memory_space<hbm>> -> memref<64x128xf32, #tpu.memory_space<hbm>>
      tpu.enqueue_dma source(%arg14 : memref<64x128xf32, #tpu.memory_space<vmem>>) target(%dma_start3A_253 : memref<64x128xf32, #tpu.memory_space<hbm>>) target_semaphore(%arg30 : memref<!tpu.dma_semaphore, #tpu.memory_space<semaphore_mem>>)
      %lt3A_254 = arith.constant 49 : i32
      %lt3A_255 = arith.cmpi slt, %scan3A_62, %lt3A_254 : i32
      %convert_element_type3A_256 = arith.extui %lt3A_255 : i1 to i32
      %cond3A_257 = arith.constant 0 : i32
      %cond3A_258 = arith.cmpi ne, %convert_element_type3A_256, %cond3A_257 : i32
      scf.if %cond3A_258 {
        %dma_wait3A_259 = arith.constant 0 : i32
        %dma_wait3A_260 = tpu.memref_slice %arg4[%mul3A_2, %dma_wait3A_259] : memref<819200x128xf32, #tpu.memory_space<hbm>> -> memref<64x128xf32, #tpu.memory_space<hbm>>
        %dma_wait3A_261 = arith.constant 0 : i32
        %dma_wait3A_262 = tpu.memref_slice %arg4[%mul3A_2, %dma_wait3A_261] : memref<819200x128xf32, #tpu.memory_space<hbm>> -> memref<64x128xf32, #tpu.memory_space<hbm>>
        tpu.wait_dma2 semaphore(%arg26 : memref<!tpu.dma_semaphore, #tpu.memory_space<semaphore_mem>>) src(%arg10 : memref<64x128xf32, #tpu.memory_space<vmem>>) dst(%dma_wait3A_262 : memref<64x128xf32, #tpu.memory_space<hbm>>)
        %add3A_263 = arith.constant 4 : i32
        %add3A_264 = arith.addi %add3A_241, %add3A_263 : i32
        %mul3A_265 = arith.constant 64 : i32
        %mul3A_266 = arith.muli %add3A_264, %mul3A_265 : i32
        %dma_start3A_267 = tpu.memref_slice %arg5[%mul3A_266] : memref<25600xi32, #tpu.memory_space<vmem>> -> memref<64xi32, #tpu.memory_space<vmem>>
        %dma_start3A_268 = arith.constant 0 : i32
        %dma_start3A_269 = arith.constant 0 : i32
        %dma_start3A_270 = tpu.memref_slice %arg6[%dma_start3A_268, %dma_start3A_269] : memref<512x128xf32, #tpu.memory_space<vmem_shared>> -> memref<512x128xf32, #tpu.memory_space<vmem_shared>>
        tpu.enqueue_indirect_dma source(%dma_start3A_270 : memref<512x128xf32, #tpu.memory_space<vmem_shared>>) target(%arg10 : memref<64x128xf32, #tpu.memory_space<vmem>>) offsets(%dma_start3A_267 : memref<64xi32, #tpu.memory_space<vmem>>) semaphore(%arg18 : memref<!tpu.dma_semaphore, #tpu.memory_space<semaphore_mem>>)
      } else {
      }
    }
    %scan3A_30 = arith.constant 50 : i32
    %dma_wait3A = arith.constant 0 : i32
    %dma_wait3A_31 = tpu.memref_slice %arg4[%mul3A_2, %dma_wait3A] : memref<819200x128xf32, #tpu.memory_space<hbm>> -> memref<64x128xf32, #tpu.memory_space<hbm>>
    %dma_wait3A_32 = arith.constant 0 : i32
    %dma_wait3A_33 = tpu.memref_slice %arg4[%mul3A_2, %dma_wait3A_32] : memref<819200x128xf32, #tpu.memory_space<hbm>> -> memref<64x128xf32, #tpu.memory_space<hbm>>
    tpu.wait_dma2 semaphore(%arg23 : memref<!tpu.dma_semaphore, #tpu.memory_space<semaphore_mem>>) src(%arg7 : memref<64x128xf32, #tpu.memory_space<vmem>>) dst(%dma_wait3A_33 : memref<64x128xf32, #tpu.memory_space<hbm>>)
    %dma_wait3A_34 = arith.constant 0 : i32
    %dma_wait3A_35 = tpu.memref_slice %arg4[%mul3A_2, %dma_wait3A_34] : memref<819200x128xf32, #tpu.memory_space<hbm>> -> memref<64x128xf32, #tpu.memory_space<hbm>>
    %dma_wait3A_36 = arith.constant 0 : i32
    %dma_wait3A_37 = tpu.memref_slice %arg4[%mul3A_2, %dma_wait3A_36] : memref<819200x128xf32, #tpu.memory_space<hbm>> -> memref<64x128xf32, #tpu.memory_space<hbm>>
    tpu.wait_dma2 semaphore(%arg24 : memref<!tpu.dma_semaphore, #tpu.memory_space<semaphore_mem>>) src(%arg8 : memref<64x128xf32, #tpu.memory_space<vmem>>) dst(%dma_wait3A_37 : memref<64x128xf32, #tpu.memory_space<hbm>>)
    %dma_wait3A_38 = arith.constant 0 : i32
    %dma_wait3A_39 = tpu.memref_slice %arg4[%mul3A_2, %dma_wait3A_38] : memref<819200x128xf32, #tpu.memory_space<hbm>> -> memref<64x128xf32, #tpu.memory_space<hbm>>
    %dma_wait3A_40 = arith.constant 0 : i32
    %dma_wait3A_41 = tpu.memref_slice %arg4[%mul3A_2, %dma_wait3A_40] : memref<819200x128xf32, #tpu.memory_space<hbm>> -> memref<64x128xf32, #tpu.memory_space<hbm>>
    tpu.wait_dma2 semaphore(%arg25 : memref<!tpu.dma_semaphore, #tpu.memory_space<semaphore_mem>>) src(%arg9 : memref<64x128xf32, #tpu.memory_space<vmem>>) dst(%dma_wait3A_41 : memref<64x128xf32, #tpu.memory_space<hbm>>)
    %dma_wait3A_42 = arith.constant 0 : i32
    %dma_wait3A_43 = tpu.memref_slice %arg4[%mul3A_2, %dma_wait3A_42] : memref<819200x128xf32, #tpu.memory_space<hbm>> -> memref<64x128xf32, #tpu.memory_space<hbm>>
    %dma_wait3A_44 = arith.constant 0 : i32
    %dma_wait3A_45 = tpu.memref_slice %arg4[%mul3A_2, %dma_wait3A_44] : memref<819200x128xf32, #tpu.memory_space<hbm>> -> memref<64x128xf32, #tpu.memory_space<hbm>>
    tpu.wait_dma2 semaphore(%arg26 : memref<!tpu.dma_semaphore, #tpu.memory_space<semaphore_mem>>) src(%arg10 : memref<64x128xf32, #tpu.memory_space<vmem>>) dst(%dma_wait3A_45 : memref<64x128xf32, #tpu.memory_space<hbm>>)
    %dma_wait3A_46 = arith.constant 0 : i32
    %dma_wait3A_47 = tpu.memref_slice %arg4[%mul3A_2, %dma_wait3A_46] : memref<819200x128xf32, #tpu.memory_space<hbm>> -> memref<64x128xf32, #tpu.memory_space<hbm>>
    %dma_wait3A_48 = arith.constant 0 : i32
    %dma_wait3A_49 = tpu.memref_slice %arg4[%mul3A_2, %dma_wait3A_48] : memref<819200x128xf32, #tpu.memory_space<hbm>> -> memref<64x128xf32, #tpu.memory_space<hbm>>
    tpu.wait_dma2 semaphore(%arg27 : memref<!tpu.dma_semaphore, #tpu.memory_space<semaphore_mem>>) src(%arg11 : memref<64x128xf32, #tpu.memory_space<vmem>>) dst(%dma_wait3A_49 : memref<64x128xf32, #tpu.memory_space<hbm>>)
    %dma_wait3A_50 = arith.constant 0 : i32
    %dma_wait3A_51 = tpu.memref_slice %arg4[%mul3A_2, %dma_wait3A_50] : memref<819200x128xf32, #tpu.memory_space<hbm>> -> memref<64x128xf32, #tpu.memory_space<hbm>>
    %dma_wait3A_52 = arith.constant 0 : i32
    %dma_wait3A_53 = tpu.memref_slice %arg4[%mul3A_2, %dma_wait3A_52] : memref<819200x128xf32, #tpu.memory_space<hbm>> -> memref<64x128xf32, #tpu.memory_space<hbm>>
    tpu.wait_dma2 semaphore(%arg28 : memref<!tpu.dma_semaphore, #tpu.memory_space<semaphore_mem>>) src(%arg12 : memref<64x128xf32, #tpu.memory_space<vmem>>) dst(%dma_wait3A_53 : memref<64x128xf32, #tpu.memory_space<hbm>>)
    %dma_wait3A_54 = arith.constant 0 : i32
    %dma_wait3A_55 = tpu.memref_slice %arg4[%mul3A_2, %dma_wait3A_54] : memref<819200x128xf32, #tpu.memory_space<hbm>> -> memref<64x128xf32, #tpu.memory_space<hbm>>
    %dma_wait3A_56 = arith.constant 0 : i32
    %dma_wait3A_57 = tpu.memref_slice %arg4[%mul3A_2, %dma_wait3A_56] : memref<819200x128xf32, #tpu.memory_space<hbm>> -> memref<64x128xf32, #tpu.memory_space<hbm>>
    tpu.wait_dma2 semaphore(%arg29 : memref<!tpu.dma_semaphore, #tpu.memory_space<semaphore_mem>>) src(%arg13 : memref<64x128xf32, #tpu.memory_space<vmem>>) dst(%dma_wait3A_57 : memref<64x128xf32, #tpu.memory_space<hbm>>)
    %dma_wait3A_58 = arith.constant 0 : i32
    %dma_wait3A_59 = tpu.memref_slice %arg4[%mul3A_2, %dma_wait3A_58] : memref<819200x128xf32, #tpu.memory_space<hbm>> -> memref<64x128xf32, #tpu.memory_space<hbm>>
    %dma_wait3A_60 = arith.constant 0 : i32
    %dma_wait3A_61 = tpu.memref_slice %arg4[%mul3A_2, %dma_wait3A_60] : memref<819200x128xf32, #tpu.memory_space<hbm>> -> memref<64x128xf32, #tpu.memory_space<hbm>>
    tpu.wait_dma2 semaphore(%arg30 : memref<!tpu.dma_semaphore, #tpu.memory_space<semaphore_mem>>) src(%arg14 : memref<64x128xf32, #tpu.memory_space<vmem>>) dst(%dma_wait3A_61 : memref<64x128xf32, #tpu.memory_space<hbm>>)
    return
  }
}

</mosaic_0001>

<sc_bundles>
// kernel: _gather_flat.3.cloned.1.call-start
scs
__scs_entry_jumppad:
0x0: {  	(pc) =	sbr.rel $0x88, $3  }
0x1: {  	(tag) =	ssettag $0x0;
	lr =	simm.s32 $0x1  }
0x2: {  	[smem:$0x3F9F] =	sst lr;
	_ =	strace $0xD0000000  }
0x3: {  	_ = 	snop  }
0x4: {  	_ = 	snop  }
0x5: {  	_ = 	snop  }
0x6: {  	_ = 	snop  }
0x7: {  	_ = 	snop  }
__scs_overlays_trampoline_lowered:
0x8: {  	[smem:$0x3FAE] =	sst s0  }
0x9: {  	[smem:$0x3FAF] =	sst s1  }
0xa: {  	[smem:$0x3FB0] =	sst s2  }
0xb: {  	[smem:$0x3FB1] =	sst s3  }
0xc: {  	[smem:$0x3FB2] =	sst s4  }
0xd: {  	[smem:$0x3FB3] =	sst s5  }
0xe: {  	[smem:$0x3FB4] =	sst s6  }
0xf: {  	[smem:$0x3FB5] =	sst s7  }
0x10: {  	[smem:$0x3FB6] =	sst s8  }
0x11: {  	[smem:$0x3FB7] =	sst s9;
	s0 =	simm.s32 @!p0 $0x0  }
0x12: {  	s1 =	sld [smem:$0x3F9D];
	s0 =	simm.s32 @p0 $0x1  }
0x13: {  	[smem:$0x3FB8] =	sst s0;
	s0 =	simm.s32 @!p1 $0x0  }
0x14: {  	s2 =	sld [smem:$0x3F9C];
	s0 =	simm.s32 @p1 $0x1  }
0x15: {  	[smem:$0x3FB9] =	sst s0;
	s0 =	simm.s32 @!p2 $0x0  }
0x16: {  	s3 =	sld [smem:$0x3FDB];
	s0 =	simm.s32 @p2 $0x1  }
0x17: {  	s4 =	simm.s32 $0x1BF5;
	[smem:$0x3FBB] =	sst s0  }
0x18: {  	s0 =	sld [smem:$0x3F9E];
	_ =	swait.ge [sflag:s4], $0x0  }
0x19: {  	s7 =	sld [smem:$0x3F9F]  }
0x1a: {  	s8 =	sadd.s32 $0xFFFFE003, lr  }
0x1b: {  	s9 =	sadd.s32 $0xFFFFFEF7, lr;
	s5 =	simm.s32 $0xFFFFFFFF;
	p2 =	slt.u32 s8, $0xFFFFF086  }
0x1c: {  	p1 =	slt.u32 s9, $0xF7A;
	s5 =	simm.s32 @!p2 $0x0  }
0x1d: {  	s5 =	simm.s32 @p1 $0x1;
	p0 =	seq.s32 s7, s2  }
0x1e: {  	s7 =	smul.u32 @!p0 $0xF7A, s2;
	p2 =	seq.s32 @!p0 s5, $0x0  }
0x1f: {  	s9 =	smul.u32 $0xF7A, s1;
	s8 =	simm.s32 @!p0 $0x1BF5;
	p2 =	por !p2, p0  }
0x20: {  	[sflag:s8] =	ssyncset.s32 @!p0 $0xFFFFF086;
	s6 =	sadd.s32 @!p0 s3, s7;
	s7 =	simm.s32 @!p0 $0x108  }
0x21: {  	s3 =	sadd.s32 s3, s9;
	s6 =	sadd.s32 @!p0 $0x88, s6;
	s7 =	simm.s32 @p2 $0x1082  }
0x22: {  	[simem:s7], [sflag:s8] =	dma.local @!p0 [hbm:s6], $0xF7A  }
0x23: {  	s9 =	sor.u32 $0xD0000000, s2;
	s6 =	simm.s32 $0x108;
	_ =	swait.ge @!p0 [sflag:s8], $0x0  }
0x24: {  	s3 =	sadd.s32 $0x88, s3;
	s6 =	simm.s32 @!p1 $0x1082;
	[sflag:s4] =	ssyncset.s32 $0xFFFFF086  }
0x25: {  	[simem:s6], [sflag:s4] =	dma.local [hbm:s3], $0xF7A  }
0x26: {  	[smem:$0x3F9F] =	sst s1;
	(tag) =	ssettag s2;
	_ =	strace s9  }
0x27: {  	s1 =	sld [smem:$0x3FAF]  }
0x28: {  	s2 =	sld [smem:$0x3FB0]  }
0x29: {  	s4 =	sld [smem:$0x3FB2]  }
0x2a: {  	p0 =	seq.s32 s5, $0x0;
	s5 =	sld [smem:$0x3FB3]  }
0x2b: {  	s6 =	sld [smem:$0x3FB4]  }
0x2c: {  	s7 =	sld [smem:$0x3FB5]  }
0x2d: {  	s3 =	simm.s32 $0x108;
	s8 =	sld [smem:$0x3FB6]  }
0x2e: {  	s3 =	simm.s32 @!p0 $0x1082;
	s9 =	sld [smem:$0x3FB7]  }
0x2f: {  	lr =	sadd.s32 s0, s3;
	s0 =	sld [smem:$0x3FAE]  }
0x30: {  	s3 =	sld [smem:$0x3FB1]  }
0x31: {  	[smem:$0x3FBA] =	sst s10  }
0x32: {  	s10 =	sld [smem:$0x3FB8];
	_ =	sdelay $0x3  }
0x33: {  	p0 =	seq.s32 s10, $0x1;
	s10 =	sld [smem:$0x3FBA];
	_ =	sdelay $0x3  }
0x34: {  	[smem:$0x3FBA] =	sst s10  }
0x35: {  	s10 =	sld [smem:$0x3FB9];
	_ =	sdelay $0x3  }
0x36: {  	p1 =	seq.s32 s10, $0x1;
	s10 =	sld [smem:$0x3FBA];
	_ =	sdelay $0x3  }
0x37: {  	[smem:$0x3FBA] =	sst s10  }
0x38: {  	s10 =	sld [smem:$0x3FBB]  }
0x39: {  	_ = 	snop;
	(pc) =	sbr.ind lr, $3  }
0x3a: {  	_ = 	snop  }
0x3b: {  	_ = 	snop  }
0x3c: {  	p2 =	seq.s32 s10, $0x1;
	s10 =	sld [smem:$0x3FBA]  }
0x3d: {  	_ =	shalt  }
0x3e: {  	_ =	shalt  }
0x3f: {  	_ =	shalt  }
0x40: {  	_ =	shalt  }
0x41: {  	_ =	shalt  }
0x42: {  	_ =	shalt  }
0x43: {  	_ =	shalt  }
0x44: {  	_ =	shalt  }
0x45: {  	_ =	shalt  }
0x46: {  	_ =	shalt  }
0x47: {  	_ =	shalt  }
0x48: {  	_ =	shalt  }
0x49: {  	_ =	shalt  }
0x4a: {  	_ =	shalt  }
0x4b: {  	_ =	shalt  }
0x4c: {  	_ =	shalt  }
0x4d: {  	_ =	shalt  }
0x4e: {  	_ =	shalt  }
0x4f: {  	_ =	shalt  }
0x50: {  	_ =	shalt  }
0x51: {  	_ =	shalt  }
0x52: {  	_ =	shalt  }
0x53: {  	_ =	shalt  }
0x54: {  	_ =	shalt  }
0x55: {  	_ =	shalt  }
0x56: {  	_ =	shalt  }
0x57: {  	_ =	shalt  }
0x58: {  	_ =	shalt  }
0x59: {  	_ =	shalt  }
0x5a: {  	_ =	shalt  }
0x5b: {  	_ =	shalt  }
0x5c: {  	_ =	shalt  }
0x5d: {  	_ =	shalt  }
0x5e: {  	_ =	shalt  }
0x5f: {  	_ =	shalt  }
0x60: {  	_ =	shalt  }
0x61: {  	_ =	shalt  }
0x62: {  	_ =	shalt  }
0x63: {  	_ =	shalt  }
0x64: {  	_ =	shalt  }
0x65: {  	_ =	shalt  }
0x66: {  	_ =	shalt  }
0x67: {  	_ =	shalt  }
0x68: {  	_ =	shalt  }
0x69: {  	_ =	shalt  }
0x6a: {  	_ =	shalt  }
0x6b: {  	_ =	shalt  }
0x6c: {  	_ =	shalt  }
0x6d: {  	_ =	shalt  }
0x6e: {  	_ =	shalt  }
0x6f: {  	_ =	shalt  }
0x70: {  	_ =	shalt  }
0x71: {  	_ =	shalt  }
0x72: {  	_ =	shalt  }
0x73: {  	_ =	shalt  }
0x74: {  	_ =	shalt  }
0x75: {  	_ =	shalt  }
0x76: {  	_ =	shalt  }
0x77: {  	_ =	shalt  }
0x78: {  	_ =	shalt  }
0x79: {  	_ =	shalt  }
0x7a: {  	_ =	shalt  }
0x7b: {  	_ =	shalt  }
0x7c: {  	_ =	shalt  }
0x7d: {  	_ =	shalt  }
0x7e: {  	_ =	shalt  }
0x7f: {  	_ =	shalt  }
0x80: {  	_ =	shalt  }
0x81: {  	_ =	shalt  }
0x82: {  	_ =	shalt  }
0x83: {  	_ =	shalt  }
0x84: {  	_ =	shalt  }
0x85: {  	_ =	shalt  }
0x86: {  	_ =	shalt  }
0x87: {  	_ =	shalt  }
.Lfunc_end0:
.L_simem_size_0:
called_computation_lowered:
.L_overlay_start_0:
0x88: {  	s2 =	sld [smem:$0x3FD9]  }
0x89: {  	s3 =	sld [smem:$0x3FFE];
	_ =	sdelay $0x1  }
0x8a: {  	s1 =	srdreg.scid  }
0x8b: {  	s0 =	sand.u32 $0x1, s1  }
0x8c: {  	s18 =	sshll.u32 s0, $0xA;
	s2 =	sadd.s32 s3, s2  }
0x8d: {  	s2 =	sadd.s32 s2, s18  }
0x8e: {  	[smem:$0x3FC6] =	sst s2  }
0x8f: {  	_ = 	snop  }
0x90: {  	s2 =	sld [smem:$0x3FC9]  }
0x91: {  	s19 =	sld [smem:$0x3FC8]  }
0x92: {  	s4 =	sld [smem:$0x3FD0];
	(tm) =	ssettm $0x1  }
0x93: {  	s5 =	sld [smem:$0x3FFB];
	_ =	sdelay $0x3  }
0x94: {  	_ =	strace s5  }
0x95: {  	s5 =	sld [smem:$0x3FFC];
	_ =	sdelay $0x3  }
0x96: {  	_ =	strace s5  }
0x97: {  	s5 =	sld [smem:$0x3FFD];
	_ =	sdelay $0x3  }
0x98: {  	_ =	strace s5  }
0x99: {  	_ =	strace $0x8FFFFFFF  }
0x9a: {  	s20 =	sld [smem:$0x3FDB];
	_ =	sdelay $0x1  }
0x9b: {  	s6 =	simm.s32 $_scs_section_size  }
0x9c: {  	s7 =	simm.s32 $_size__tile_overlayer_lowered;
	s8 =	simm.s32 $_tile_overlayer_lowered  }
0x9d: {  	s23 =	simm.s32 $0x1BFF;
	s22 =	sshll.u32 s8, $0x1;
	s5 =	sadd.s32 s6, s20  }
0x9e: {  	s9 =	simm.s32 $0x0;
	s21 =	sshll.u32 s7, $0x1;
	s7 =	sadd.s32 s22, s5  }
0x9f: {  	[timem:s9], [sflag:s23] =	dma.local [hbm:s7], s21  }
0xa0: {  	_ =	swait.ge [sflag:s23], s21  }
0xa1: {  	s6 =	ssub.s32 $0x0, s21;
	[sflag:s23] =	ssyncset.done $0x0  }
0xa2: {  	[sflag:s23] =	ssyncadd.s32 s6;
	_ =	sdelay $0x1  }
0xa3: {  	s24 =	simm.s32 $0x1B8B  }
0xa4: {  	_ =	swait.ge [sflag:s24], $0x1  }
0xa5: {  	[sflag:s24] =	ssyncset.done $0x0  }
0xa6: {  	s25 =	simm.s32 $0x1B8E;
	[sflag:s24] =	ssyncadd.s32 $0xFFFFFFFF  }
0xa7: {  	s26 =	simm.s32 $execute0_lowered;
	[smem:$0x3FD2] =	sst s25  }
0xa8: {  	s6 =	sshll.u32 s26, $0x1;
	_ =	strace $0x80000046;
	[dreg:$0x1] =	wrdreg $0xFFFFFFFF  }
0xa9: {  	s28 =	simm.s32 $_size_execute0_lowered;
	s5 =	sadd.s32 s5, s6;
	[dreg:$0x0] =	wrdreg $0x0  }
0xaa: {  	s6 =	sshll.u32 s28, $0x1;
	[dreg:$0x2] =	wrdreg s5  }
0xab: {  	[dreg:$0x3] =	wrdreg s6  }
0xac: {  	[dreg:$0x4] =	wrdreg $0xC0  }
0xad: {  	_ =	task [dreg:s9], $0x5FFFF  }
0xae: {  	[dreg:$0x1] =	wrdreg $0xFFFFFFFF  }
0xaf: {  	[dreg:$0x0] =	wrdreg $0x60  }
0xb0: {  	[dreg:$0x2] =	wrdreg s2  }
0xb1: {  	[dreg:$0x3] =	wrdreg s19  }
0xb2: {  	[dreg:$0x4] =	wrdreg s4  }
0xb3: {  	[dreg:$0x5] =	wrdreg $0x64000  }
0xb4: {  	[dreg:$0x6] =	wrdreg $0x9  }
0xb5: {  	_ =	task.clear_ibuf [dreg:s9], $0x7FFFF;
	_ =	strace $0x90000046  }
0xb6: {  	s29 =	simm.s32 $0x9;
	_ =	strace $0x80000048  }
0xb7: {  	_ =	swait.ge [sflag:s29], $0x1  }
0xb8: {  	[sflag:s29] =	ssyncadd.s32 $0xFFFFFFFF  }
0xb9: {  	_ =	strace $0x90000048  }
0xba: {  	_ =	sfence  }
0xbb: {  	s30 =	sld [smem:$0x0];
	_ =	sdelay $0x2  }
0xbc: {  	s31 =	sshll.u32 s1, $0xD;
	s1 =	sshrl.u32 s1, $0x2  }
0xbd: {  	s3 =	sand.u32 $0x4000, s31;
	s1 =	sadd.s32 s1, s30  }
0xbe: {  	s0 =	sor.u32 s3, s0;
	s1 =	sshll.u32 s1, $0x11  }
0xbf: {  	s0 =	sor.u32 s1, s0  }
0xc0: {  	s0 =	sadd.s32 $0x8F2B, s0  }
0xc1: {  	[sflag:s0] =	ssyncadd.remote.s32 $0x1  }
0xc2: {  	_ =	sfence.sel $0xFFFF  }
0xc3: {  	[dreg:$0x0] =	wrdreg $0xFFFFFFFF;
	(pc) =	sbr.abs _section_cstart, $3  }
0xc4: {  	[dreg:$0x1] =	wrdreg $0xFFFFFFFF  }
0xc5: {  	_ =	task.clear_ibuf [dreg:s9], $0x2FFFF;
	_ =	strace $0x9FFFFFFF  }
0xc6: {  	(tm) =	ssettm $0x7FFFFFFF  }
0xc7: {  	_ =	shalt  }
tec
execute0_lowered:
.L_overlay_start_1:
0x0: {  	(tag) =	ssettag $0x1  }
0x1: {  	s0 =	rddreg [dreg:$0x0]  }
0x2: {  	s1 =	rddreg [dreg:$0x1]  }
0x3: {  	s11 =	rddreg [dreg:$0x2]  }
0x4: {  	s3 =	rddreg [dreg:$0x3];
	s2 =	srdreg.scid  }
0x5: {  	s4 =	simm.s32 $0x0;
	s12 =	stileid.u32;
	s15 =	simm.s32 $0x40  }
0x6: {  	s28 =	simm.s32 $0x13400;
	s29 =	simm.s32 $0x4;
	s30 =	simm.s32 $0x15400  }
0x7: {  	s31 =	simm.s32 $0x5;
	s2 =	sand.u32 $0x1, s2;
	[smem:$0x7FF] =	sst s4  }
0x8: {  	s6 =	sshll.u32 s12, $0x1;
	s8 =	sshll.u32 s12, $0xC;
	s10 =	smul.u32 $0x640000, s12  }
0x9: {  	s18 =	sshll.u32 s12, $0x9;
	s19 =	sshll.u32 s12, $0x6;
	s23 =	smul.u32 $0xC8000, s12  }
0xa: {  	s5 =	ssub.s32 $0x2, s2;
	_ =	strace $0x80000047;
	s21 =	smul.u32 $0x320000, s2  }
0xb: {  	s6 =	sor.u32 s2, s6;
	s9 =	sadd.s32 s8, s3;
	s2 =	smul.u32 $0x64000, s2  }
0xc: {  	s1 =	sadd.s32 s1, s18;
	s7 =	sshrl.u32 s5, $0x1;
	s17 =	smul.u32 $0x6400, s6  }
0xd: {  	s6 =	smul.u32 $0x64000, s6;
	[dreg:$0x5] =	wrdreg s1;
	s1 =	sor.u32 $0x1C11, s19  }
0xe: {  	s26 =	sshrl.u32 s9, $0x3;
	s19 =	simm.s32 $0xB400;
	s5 =	ssub.s32 s5, s7  }
0xf: {  	[dreg:$0x6] =	wrdreg s1;
	s24 =	sadd.s32 s21, s10;
	s12 =	sadd.s32 s2, s23  }
0x10: {  	[dreg:$0xa] =	wrdreg s26;
	s21 =	simm.s32 $0xD400;
	s23 =	simm.s32 $0xF400  }
0x11: {  	s26 =	simm.s32 $0x3;
	s2 =	simm.s32 $0x8;
	s7 =	simm.s32 $0x0  }
0x12: {  	s20 =	sshrl.u32 s17, $0x3;
	s22 =	sadd.s32 s6, s11;
	s25 =	smax.u32 s5, $0x1  }
.Ltmp0:
0x13: {  	s11 =	sshrl.u32 s24, $0x3;
	s17 =	simm.s32 $0x9400;
	(pc) =	sbr.rel .LBB2_1-.Ltmp0, $4  }
0x14: {  	s24 =	simm.s32 $0x2;
	s5 =	simm.s32 $0xC;
	s0 =	sadd.s32 s0, s20  }
0x15: {  	s8 =	sadd.s32 $0x63400, s22;
	[dreg:$0x9] =	wrdreg s25;
	s25 =	simm.s32 $0x11400  }
0x16: {  	s20 =	simm.s32 $0xB;
	[dreg:$0x7] =	wrdreg s0;
	s0 =	sadd.s32 $0x63C00, s22  }
0x17: {  	s22 =	simm.s32 $0x1;
	[dreg:$0x8] =	wrdreg s0;
	s0 =	simm.s32 $0x7  }
.LBB2_4:
0x18: {  	_ =	swait.ge [sflag:s2], $0x2000  }
0x19: {  	[sflag:s2] =	ssyncset.done $0x0  }
0x1a: {  	s9 =	simm.s32 $0x9;
	s1 =	rddreg [dreg:$0x8];
	[sflag:s2] =	ssyncadd.s32 $0xFFFFE000  }
0x1b: {  	[hbm4b:s1+s4] =	stream.linear.scatter [tilespmem:s30], [sflag:$0x10], $0x2000, $0x38;
	[tilespmem:$0x17400] =	vst v63  }
0x1c: {  	_ =	swait.ge [sflag:s9], $0x2000  }
0x1d: {  	[sflag:s9] =	ssyncset.done $0x0  }
0x1e: {  	s10 =	simm.s32 $0xA;
	[sflag:s9] =	ssyncadd.s32 $0xFFFFE000  }
0x1f: {  	_ =	swait.ge [sflag:s10], $0x2000  }
0x20: {  	[sflag:s10] =	ssyncset.done $0x0  }
0x21: {  	[sflag:s10] =	ssyncadd.s32 $0xFFFFE000  }
0x22: {  	_ =	swait.ge [sflag:s20], $0x2000  }
0x23: {  	[sflag:s20] =	ssyncset.done $0x0  }
0x24: {  	[sflag:s20] =	ssyncadd.s32 $0xFFFFE000  }
0x25: {  	_ =	swait.ge [sflag:s5], $0x2000  }
0x26: {  	[sflag:s5] =	ssyncset.done $0x0  }
0x27: {  	s13 =	simm.s32 $0xD;
	[sflag:s5] =	ssyncadd.s32 $0xFFFFE000  }
0x28: {  	_ =	swait.ge [sflag:s13], $0x2000  }
0x29: {  	[sflag:s13] =	ssyncset.done $0x0  }
0x2a: {  	s14 =	simm.s32 $0xE;
	[sflag:s13] =	ssyncadd.s32 $0xFFFFE000  }
0x2b: {  	_ =	swait.ge [sflag:s14], $0x2000  }
0x2c: {  	[sflag:s14] =	ssyncset.done $0x0  }
0x2d: {  	s16 =	simm.s32 $0xF;
	[sflag:s14] =	ssyncadd.s32 $0xFFFFE000  }
0x2e: {  	_ =	swait.ge [sflag:s16], $0x2000  }
0x2f: {  	[sflag:s16] =	ssyncset.done $0x0  }
0x30: {  	s6 =	simm.s32 $0x10;
	[sflag:s16] =	ssyncadd.s32 $0xFFFFE000  }
0x31: {  	_ =	swait.ge [sflag:s6], $0x2000  }
0x32: {  	s7 =	rddreg [dreg:$0xb]  }
0x33: {  	s18 =	rddreg [dreg:$0x9];
	s7 =	sadd.s32 $0x1, s7  }
0x34: {  	p0 =	sne.s32 s7, s18  }
.Ltmp1:
0x35: {  	_ = 	snop;
	(pc) =	sbr.rel @!p0 .LBB2_5-.Ltmp1, $3  }
0x36: {  	_ =	sdelay $0x1  }
0x37: {  	[sflag:s6] =	ssyncset.done $0x0  }
0x38: {  	[sflag:s6] =	ssyncadd.s32 $0xFFFFE000  }
.LBB2_1:
0x39: {  	[dreg:$0xb] =	wrdreg s7  }
0x3a: {  	s1 =	rddreg [dreg:$0x5]  }
0x3b: {  	s6 =	rddreg [dreg:$0x6]  }
0x3c: {  	s9 =	rddreg [dreg:$0xa];
	s10 =	simm.s32 $0x11  }
0x3d: {  	[spmem:s9], [sflag:s6] =	dma.local [hbm:s1], $0x200  }
0x3e: {  	_ =	swait.ge [sflag:s10], $0x200  }
0x3f: {  	[sflag:s10] =	ssyncset.done $0x0  }
0x40: {  	s13 =	rddreg [dreg:$0x7];
	[sflag:s10] =	ssyncadd.s32 $0xFFFFFE00  }
0x41: {  	[tilespmem:s4], [sflag:$0x11] =	stream.linear.gather [hbm4b:s13+s4], $0x6400, $0x38;
	[tilespmem:$0x17400] =	vst v63  }
0x42: {  	_ =	swait.ge [sflag:s10], $0x6400  }
0x43: {  	[sflag:s10] =	ssyncset.done $0x0  }
0x44: {  	[sflag:s10] =	ssyncadd.s32 $0xFFFF9C00  }
0x45: {  	s14 =	simm.s32 $0x7400;
	[bflag:$0x0] =	sbarrier.arrive $0xFFFF  }
0x46: {  	[tilespmem:s14], [sflag:$0x1] =	stream.indirect.gather [spmem:s3], $0x80, s4, s15, $0xb8;
	[tilespmem:$0x17400] =	vst v63  }
0x47: {  	_ = 	snop  }
0x48: {  	[tilespmem:s17], [sflag:$0x2] =	stream.indirect.gather [spmem:s3], $0x80, s15, s15, $0xb8;
	[tilespmem:$0x17400] =	vst v63  }
0x49: {  	s16 =	simm.s32 $0x80  }
0x4a: {  	[tilespmem:s19], [sflag:$0x3] =	stream.indirect.gather [spmem:s3], $0x80, s16, s15, $0xb8;
	[tilespmem:$0x17400] =	vst v63  }
0x4b: {  	s18 =	simm.s32 $0xC0  }
0x4c: {  	[tilespmem:s21], [sflag:$0x4] =	stream.indirect.gather [spmem:s3], $0x80, s18, s15, $0xb8;
	[tilespmem:$0x17400] =	vst v63  }
0x4d: {  	s1 =	rddreg [dreg:$0x2];
	s18 =	simm.s32 $0x0  }
.LBB2_2:
0x4e: {  	_ =	swait.ge [sflag:s22], $0x2000  }
0x4f: {  	s6 =	sadd.s32 s1, s11;
	[sflag:s22] =	ssyncset.done $0x0  }
0x50: {  	s7 =	simm.s32 $0x7400;
	p0 =	seq.s32 s18, $0x0;
	[sflag:s22] =	ssyncadd.s32 $0xFFFFE000  }
0x51: {  	[hbm4b:s6+s4] =	stream.linear.scatter [tilespmem:s7], [sflag:$0x9], $0x2000, $0x38;
	[tilespmem:$0x17400] =	vst v63  }
0x52: {  	s7 =	simm.s32 @!p0 $0xD  }
0x53: {  	_ =	swait.ge @!p0 [sflag:s7], $0x2000  }
0x54: {  	s6 =	sshra.s32 s18, $0x2;
	[sflag:s7] =	ssyncset.done @!p0 $0x0  }
0x55: {  	s10 =	sadd.s32 $0x100, s6;
	[sflag:s7] =	ssyncadd.s32 @!p0 $0xFFFFE000  }
0x56: {  	[tilespmem:s23], [sflag:$0x5] =	stream.indirect.gather [spmem:s3], $0x80, s10, s15, $0xb8;
	[tilespmem:$0x17400] =	vst v63  }
0x57: {  	_ =	swait.ge [sflag:s24], $0x2000  }
0x58: {  	s7 =	sadd.s32 s1, s12;
	[sflag:s24] =	ssyncset.done $0x0  }
0x59: {  	s9 =	sadd.s32 $0x400, s7;
	[sflag:s24] =	ssyncadd.s32 $0xFFFFE000  }
0x5a: {  	[hbm4b:s9+s4] =	stream.linear.scatter [tilespmem:s17], [sflag:$0xA], $0x2000, $0x38;
	[tilespmem:$0x17400] =	vst v63  }
0x5b: {  	s9 =	simm.s32 @!p0 $0xE  }
0x5c: {  	_ =	swait.ge @!p0 [sflag:s9], $0x2000  }
0x5d: {  	[sflag:s9] =	ssyncset.done @!p0 $0x0  }
0x5e: {  	s13 =	sadd.s32 $0x140, s6;
	[sflag:s9] =	ssyncadd.s32 @!p0 $0xFFFFE000  }
0x5f: {  	[tilespmem:s25], [sflag:$0x6] =	stream.indirect.gather [spmem:s3], $0x80, s13, s15, $0xb8;
	[tilespmem:$0x17400] =	vst v63  }
0x60: {  	_ =	swait.ge [sflag:s26], $0x2000  }
0x61: {  	[sflag:s26] =	ssyncset.done $0x0  }
0x62: {  	s14 =	sadd.s32 $0x800, s7;
	s9 =	simm.s32 @!p0 $0xF;
	[sflag:s26] =	ssyncadd.s32 $0xFFFFE000  }
0x63: {  	[hbm4b:s14+s4] =	stream.linear.scatter [tilespmem:s19], [sflag:$0xB], $0x2000, $0x38;
	[tilespmem:$0x17400] =	vst v63  }
0x64: {  	_ =	swait.ge @!p0 [sflag:s9], $0x2000  }
0x65: {  	[sflag:s9] =	ssyncset.done @!p0 $0x0  }
0x66: {  	s16 =	sadd.s32 $0x180, s6;
	[sflag:s9] =	ssyncadd.s32 @!p0 $0xFFFFE000  }
0x67: {  	[tilespmem:s28], [sflag:$0x7] =	stream.indirect.gather [spmem:s3], $0x80, s16, s15, $0xb8;
	[tilespmem:$0x17400] =	vst v63  }
0x68: {  	_ =	swait.ge [sflag:s29], $0x2000  }
0x69: {  	[sflag:s29] =	ssyncset.done $0x0  }
0x6a: {  	s10 =	sadd.s32 $0xC00, s7;
	s9 =	simm.s32 @!p0 $0x10;
	[sflag:s29] =	ssyncadd.s32 $0xFFFFE000  }
0x6b: {  	[hbm4b:s10+s4] =	stream.linear.scatter [tilespmem:s21], [sflag:$0xC], $0x2000, $0x38;
	[tilespmem:$0x17400] =	vst v63  }
0x6c: {  	_ =	swait.ge @!p0 [sflag:s9], $0x2000  }
0x6d: {  	[sflag:s9] =	ssyncset.done @!p0 $0x0  }
0x6e: {  	s13 =	sadd.s32 $0x1C0, s6;
	[sflag:s9] =	ssyncadd.s32 @!p0 $0xFFFFE000  }
0x6f: {  	[tilespmem:s30], [sflag:$0x8] =	stream.indirect.gather [spmem:s3], $0x80, s13, s15, $0xb8;
	[tilespmem:$0x17400] =	vst v63  }
0x70: {  	_ =	swait.ge [sflag:s31], $0x2000  }
0x71: {  	p0 =	seq.s32 s18, $0x18800;
	[sflag:s31] =	ssyncset.done $0x0  }
0x72: {  	s14 =	sadd.s32 $0x1000, s7;
	s9 =	simm.s32 @p0 $0x6;
	[sflag:s31] =	ssyncadd.s32 $0xFFFFE000  }
0x73: {  	[hbm4b:s14+s4] =	stream.linear.scatter [tilespmem:s23], [sflag:$0xD], $0x2000, $0x38;
	[tilespmem:$0x17400] =	vst v63  }
0x74: {  	_ =	swait.ge @p0 [sflag:s9], $0x2000  }
0x75: {  	[sflag:s9] =	ssyncset.done @p0 $0x0  }
0x76: {  	s10 =	simm.s32 @p0 $0x11400;
	[sflag:s9] =	ssyncadd.s32 @p0 $0xFFFFE000;
	s9 =	simm.s32 @p0 $0x0  }
0x77: {  	[hbm4b:s8+s9] =	stream.linear.scatter @p0 [tilespmem:s10], [sflag:$0xE], $0x2000, $0x38;
	[tilespmem:$0x17400] =	vst v63  }
0x78: {  	s9 =	simm.s32 @!p0 $0x9  }
0x79: {  	_ =	swait.ge @!p0 [sflag:s9], $0x2000  }
0x7a: {  	[sflag:s9] =	ssyncset.done @!p0 $0x0  }
0x7b: {  	[sflag:s9] =	ssyncadd.s32 @!p0 $0xFFFFE000;
	s9 =	sshra.s32 @!p0 s18, $0x2  }
0x7c: {  	s13 =	simm.s32 @!p0 $0x7400;
	s14 =	simm.s32 @!p0 $0x40;
	s10 =	sadd.s32 @!p0 $0x200, s9  }
0x7d: {  	[tilespmem:s13], [sflag:$0x1] =	stream.indirect.gather @!p0 [spmem:s3], $0x80, s10, s14, $0xb8;
	[tilespmem:$0x17400] =	vst v63  }
0x7e: {  	s10 =	simm.s32 @!p0 $0x6  }
0x7f: {  	_ =	swait.ge @!p0 [sflag:s10], $0x2000  }
0x80: {  	[sflag:s10] =	ssyncset.done @!p0 $0x0  }
0x81: {  	[sflag:s10] =	ssyncadd.s32 @!p0 $0xFFFFE000;
	s10 =	sadd.s32 @!p0 s1, s12  }
0x82: {  	s16 =	simm.s32 @!p0 $0x11400;
	s13 =	simm.s32 @!p0 $0x0;
	s10 =	sadd.s32 @!p0 $0x1400, s10  }
0x83: {  	[hbm4b:s10+s13] =	stream.linear.scatter @!p0 [tilespmem:s16], [sflag:$0xE], $0x2000, $0x38;
	[tilespmem:$0x17400] =	vst v63  }
0x84: {  	s10 =	simm.s32 @!p0 $0xA  }
0x85: {  	_ =	swait.ge @!p0 [sflag:s10], $0x2000  }
0x86: {  	[sflag:s10] =	ssyncset.done @!p0 $0x0  }
0x87: {  	s9 =	sadd.s32 @!p0 $0x240, s9;
	[sflag:s10] =	ssyncadd.s32 @!p0 $0xFFFFE000;
	s10 =	simm.s32 @!p0 $0x9400  }
0x88: {  	[tilespmem:s10], [sflag:$0x2] =	stream.indirect.gather @!p0 [spmem:s3], $0x80, s9, s14, $0xb8;
	[tilespmem:$0x17400] =	vst v63  }
.Ltmp2:
0x89: {  	_ = 	snop;
	(pc) =	sbr.rel @p0 .LBB2_4-.Ltmp2, $4  }
0x8a: {  	_ =	swait.ge [sflag:s0], $0x2000  }
0x8b: {  	[sflag:s0] =	ssyncset.done $0x0  }
0x8c: {  	s16 =	sadd.s32 $0x1800, s7;
	[sflag:s0] =	ssyncadd.s32 $0xFFFFE000  }
0x8d: {  	[hbm4b:s16+s4] =	stream.linear.scatter [tilespmem:s28], [sflag:$0xF], $0x2000, $0x38;
	[tilespmem:$0x17400] =	vst v63  }
0x8e: {  	_ =	swait.ge [sflag:s20], $0x2000  }
0x8f: {  	[sflag:s20] =	ssyncset.done $0x0  }
0x90: {  	s9 =	sadd.s32 $0x280, s6;
	[sflag:s20] =	ssyncadd.s32 $0xFFFFE000  }
0x91: {  	[tilespmem:s19], [sflag:$0x3] =	stream.indirect.gather [spmem:s3], $0x80, s9, s15, $0xb8;
	[tilespmem:$0x17400] =	vst v63  }
0x92: {  	_ =	swait.ge [sflag:s2], $0x2000  }
0x93: {  	[sflag:s2] =	ssyncset.done $0x0  }
0x94: {  	s7 =	sadd.s32 $0x1C00, s7;
	[sflag:s2] =	ssyncadd.s32 $0xFFFFE000  }
0x95: {  	[hbm4b:s7+s4] =	stream.linear.scatter [tilespmem:s30], [sflag:$0x10], $0x2000, $0x38;
	[tilespmem:$0x17400] =	vst v63  }
.Ltmp3:
0x96: {  	_ = 	snop;
	(pc) =	sbr.rel .LBB2_2-.Ltmp3, $4  }
0x97: {  	_ =	swait.ge [sflag:s5], $0x2000  }
0x98: {  	s16 =	sadd.s32 $0x2C0, s6;
	[sflag:s5] =	ssyncset.done $0x0  }
0x99: {  	s18 =	sadd.s32 $0x800, s18;
	s1 =	sadd.s32 $0x2000, s1;
	[sflag:s5] =	ssyncadd.s32 $0xFFFFE000  }
0x9a: {  	[tilespmem:s21], [sflag:$0x4] =	stream.indirect.gather [spmem:s3], $0x80, s16, s15, $0xb8;
	[tilespmem:$0x17400] =	vst v63  }
.LBB2_5:
0x9b: {  	_ =	sfence.sel $0x180000  }
0x9c: {  	[bflag:$0x0] =	sbarrier.arrive $0xFFFF  }
0x9d: {  	_ =	strace $0x90000047  }
0x9e: {  	s0 =	stileid.u32;
	[bflag:$0x2] =	sbarrier.arrive $0xFFFF  }
0x9f: {  	p0 =	sne.s32 s0, $0x0;
	s0 =	rddreg [dreg:$0x4]  }
0xa0: {  	s0 =	sadd.s32 @!p0 $0x100000, s0  }
0xa1: {  	[sflag:s0] =	ssyncadd.tile.s32 @!p0 $0x1;
	_ =	shalt  }
.Lfunc_end2:
_tile_overlayer_lowered:
.L_overlay_start_2:
0xa2: {  	(tag) =	ssettag $0x2  }
0xa3: {  	s0 =	rddreg [dreg:$0x0];
	s2 =	stileid.u32  }
0xa4: {  	s1 =	rddreg [dreg:$0x1];
	p0 =	sne.s32 s2, $0x0  }
0xa5: {  	s3 =	rddreg [dreg:$0x2];
	[bflag:$0x3] =	sbarrier.arrive $0xFFFF;
	s2 =	simm.s32 @!p0 $0x1C11  }
0xa6: {  	[timem:s3], [sflag:s2] =	dma.local @!p0 [hbm:s0], s1  }
0xa7: {  	s0 =	simm.s32 @!p0 $0x11  }
0xa8: {  	_ =	swait.ge @!p0 [sflag:s0], s1  }
0xa9: {  	s1 =	ssub.s32 @!p0 $0x0, s1;
	[sflag:s0] =	ssyncset.done @!p0 $0x0  }
0xaa: {  	[sflag:s0] =	ssyncadd.s32 @!p0 s1  }
0xab: {  	[bflag:$0x3] =	sbarrier.arrive $0xFFFF  }
0xac: {  	_ =	shalt  }

</sc_bundles>
